<compile_context>
chip_gen: v7x
topology: tpu7x:2x2x1
jax: 0.10.2.dev20260603
libtpu: 0.0.44.dev20260713+nightly
codegen_flags: <defaults>
</compile_context>

<pallas_src>
import functools

import jax
import jax.numpy as jnp
import numpy as np
from jax import lax
from jax.experimental import pallas as pl
from jax.experimental.pallas import tpu as pltpu
from jax.experimental.pallas import tpu_sc as plsc

B = 1024
DOMAIN_NUM = 3
MAX_LEN = 20
SEQ = DOMAIN_NUM * MAX_LEN
DIM = 64
K = 512
N_TOKENS = B * SEQ

_NC, _NS = 2, 16
NW = _NC * _NS
ROWS_PER_W = N_TOKENS // NW
CHUNK = 128
N_CHUNKS = ROWS_PER_W // CHUNK


def _sc_gather(ids_flat, table, n_tokens, chunk):
    rows_per_w = n_tokens // NW
    n_chunks = rows_per_w // chunk
    mesh = plsc.VectorSubcoreMesh(
        core_axis_name="c", subcore_axis_name="s",
        num_cores=_NC, num_subcores=_NS)

    @functools.partial(
        pl.kernel,
        out_type=jax.ShapeDtypeStruct((n_tokens, 2 * DIM), jnp.float32),
        mesh=mesh,
        scratch_types=[
            pltpu.VMEM((rows_per_w,), jnp.int32),
            pltpu.VMEM((chunk, DIM), jnp.float32),
            pltpu.VMEM((chunk, DIM), jnp.float32),
            pltpu.SemaphoreType.DMA,
            pltpu.SemaphoreType.DMA,
        ],
        compiler_params=pltpu.CompilerParams(use_tc_tiling_on_sc=False),
    )
    def gather_k(ids_hbm, table_hbm, out_hbm,
                 idx_v, rows0, rows1, sem0, sem1):
        wid = lax.axis_index("s") * _NC + lax.axis_index("c")
        base = wid * rows_per_w
        pltpu.sync_copy(ids_hbm.at[pl.ds(base, rows_per_w)], idx_v)
        bufs = (rows0, rows1)
        sems = (sem0, sem1)
        cp = pltpu.async_copy(
            table_hbm.at[idx_v.at[pl.ds(0, chunk)]], bufs[0], sems[0])
        for i in range(n_chunks):
            nxt = None
            if i + 1 < n_chunks:
                nxt = pltpu.async_copy(
                    table_hbm.at[idx_v.at[pl.ds((i + 1) * chunk, chunk)]],
                    bufs[(i + 1) % 2], sems[(i + 1) % 2])
            cp.wait()
            pltpu.sync_copy(bufs[i % 2],
                            out_hbm.at[pl.ds(base + i * chunk, chunk),
                                       pl.ds(0, DIM)])
            cp = nxt

    return gather_k(ids_flat, table)


BB = 64
TB = BB * SEQ

_S_BLOCK = np.kron(np.eye(BB, dtype=np.float32),
                   np.ones((1, SEQ), dtype=np.float32))
_LANE_MASK = np.concatenate(
    [np.ones((1, DIM), np.float32), np.zeros((1, DIM), np.float32)], axis=1)


def _tc_body(x_ref, m_ref, cb_ref, cbw_ref, lm_ref, s_ref, o_ref):
    x2r = x_ref[...]
    cb = cb_ref[...]
    cbw = cbw_ref[...]
    S = s_ref[...]
    maskv = m_ref[0]
    x2 = jnp.where(lm_ref[...] > 0.5, x2r, 0.0)
    cnorm = lax.dot_general(
        jnp.ones((1, DIM), jnp.float32), cb * cb,
        (((1,), (1,)), ((), ())),
        preferred_element_type=jnp.float32)
    scores = cnorm - 2.0 * lax.dot_general(
        x2, cbw, (((1,), (1,)), ((), ())),
        preferred_element_type=jnp.float32)
    minv = jnp.min(scores, axis=1, keepdims=True)
    onehot = (scores <= minv).astype(jnp.float32)
    counts = jnp.dot(S, onehot,
                     preferred_element_type=jnp.float32)
    vq_sum = jnp.dot(counts, cb,
                     preferred_element_type=jnp.float32)
    M = S * maskv
    xm2 = jnp.dot(M, x2, preferred_element_type=jnp.float32)
    denom = jnp.maximum(jnp.sum(M, axis=1, keepdims=True), 1.0)
    o_ref[:, :DIM] = vq_sum / denom
    o_ref[:, DIM:] = xm2[:, :DIM] / denom


def _tc_vq(x2, mask_flat, code_book, cbw, interpret=False):
    grid = x2.shape[0] // TB
    return pl.pallas_call(
        _tc_body,
        grid=(grid,),
        in_specs=[
            pl.BlockSpec((TB, 2 * DIM), lambda i: (i, 0)),
            pl.BlockSpec((1, 1, TB), lambda i: (i, 0, 0)),
            pl.BlockSpec((K, DIM), lambda i: (0, 0)),
            pl.BlockSpec((K, 2 * DIM), lambda i: (0, 0)),
            pl.BlockSpec((1, 2 * DIM), lambda i: (0, 0)),
            pl.BlockSpec((BB, TB), lambda i: (0, 0)),
        ],
        out_specs=pl.BlockSpec((BB, 2 * DIM), lambda i: (i, 0)),
        out_shape=jax.ShapeDtypeStruct((grid * BB, 2 * DIM), jnp.float32),
        interpret=interpret,
    )(x2, mask_flat, code_book, cbw,
      jnp.asarray(_LANE_MASK), jnp.asarray(_S_BLOCK))


N_WAVES = 2
_WTOK = N_TOKENS // N_WAVES
_WCHUNK = _WTOK // NW // 8


def kernel(history_item_ids, history_item_masks, embedding_table, code_book):
    ids_flat = history_item_ids.reshape(N_TOKENS).astype(jnp.int32)
    mask_flat = history_item_masks.reshape(B // BB, 1, TB).astype(jnp.float32)
    cbw = jnp.concatenate(
        [code_book, jnp.zeros((K, DIM), jnp.float32)], axis=1)
    mb = (B // BB) // N_WAVES
    outs = []
    for w in range(N_WAVES):
        xw = _sc_gather(ids_flat[w * _WTOK:(w + 1) * _WTOK],
                        embedding_table, _WTOK, _WCHUNK)
        outs.append(_tc_vq(xw, mask_flat[w * mb:(w + 1) * mb],
                           code_book, cbw))
    return jnp.concatenate(outs, axis=0)

# --- scband reference (transcript-rebuilt; emitter-appended) ---
"""Pipeline reference for scband-dnn-19507741458922 (READ-ONLY COPY).

The authoritative reference and input builder live on the scoring server;
editing this copy changes nothing except your own understanding.
"""

import jax, jax.numpy as jnp
import numpy as np

B = 1024
DOMAIN_NUM = 3
MAX_LEN = 20
DIM = 64
K = 512
ITEM_COUNT = 100000


def setup_inputs(seed: int = 0) -> dict:
    key = jax.random.key(seed)
    k1, k2, k3, k4 = jax.random.split(key, 4)
    history_item_ids = jax.random.randint(k1, (B, DOMAIN_NUM, MAX_LEN), 0, ITEM_COUNT, dtype=jnp.int64 if jax.config.jax_enable_x64 else jnp.int32)
    history_item_masks = jax.random.randint(k2, (B, DOMAIN_NUM, MAX_LEN), 0, 2, dtype=jnp.int64 if jax.config.jax_enable_x64 else jnp.int32)
    embedding_table = jax.random.normal(k3, (ITEM_COUNT, DIM), dtype=jnp.float32)
    code_book = jax.random.normal(k4, (K, DIM), dtype=jnp.float32) * 0.1
    return {
        "history_item_ids": history_item_ids,
        "history_item_masks": history_item_masks,
        "embedding_table": embedding_table,
        "code_book": code_book,
    }


def _get_quantized(x, code_book):
    # x: [..., DIM]; faithful to Model.get_quantized
    input_shape = x.shape
    flattened = x.reshape(-1, DIM)
    distances = (
        jnp.sum(flattened ** 2, axis=1, keepdims=True)
        + jnp.sum(code_book ** 2, axis=1)
        - 2.0 * flattened @ code_book.T
    )
    encoding_indices = jnp.argmin(distances, axis=1)
    encodings = jax.nn.one_hot(encoding_indices, K, dtype=jnp.float32)
    quantized = encodings @ code_book
    quantized = quantized.reshape(input_shape)
    return quantized, encodings


def reference(history_item_ids, history_item_masks, embedding_table, code_book):
    # embedding lookup (tf.nn.embedding_lookup)
    x = jnp.take(embedding_table, history_item_ids, axis=0)  # [B, D, L, DIM]
    mask = history_item_masks.reshape(B, DOMAIN_NUM * MAX_LEN).astype(jnp.float32)
    # vqvae path
    vq_x, encodings = _get_quantized(x, code_book)
    vq_x = vq_x.reshape(-1, DOMAIN_NUM * MAX_LEN, DIM)
    denom = jnp.maximum(jnp.sum(mask, axis=-1, keepdims=True), 1.0)
    vq_mean = jnp.sum(vq_x, axis=1) / denom
    # masked mean of raw history embeddings (item_his_eb_mean)
    x_flat = x.reshape(-1, DOMAIN_NUM * MAX_LEN, DIM)
    item_his_eb_mean = jnp.sum(x_flat * mask[:, :, None], axis=1) / denom
    out = jnp.concatenate([vq_mean, item_his_eb_mean], axis=-1)  # [B, 2*DIM]
    return out

if __name__ == "__main__":
    import jax
    _d = setup_inputs()
    print(jax.jit(kernel)(*tuple(_d.values())))

</pallas_src>

<mosaic_0001>
#map = affine_map<(d0, d1) -> (0)>
#map1 = affine_map<(d0, d1) -> (0, 0)>
module attributes {stable_mosaic.version = 14 : i64} {
  func.func @gather_k(%arg0: i32, %arg1: i32, %arg2: memref<30720xi32, #tpu.memory_space<hbm>>, %arg3: memref<100000x64xf32, #tpu.memory_space<hbm>>, %arg4: memref<30720x128xf32, #tpu.memory_space<hbm>>, %arg5: memref<960xi32, #tpu.memory_space<vmem>>, %arg6: memref<120x64xf32, #tpu.memory_space<vmem>>, %arg7: memref<120x64xf32, #tpu.memory_space<vmem>>, %arg8: memref<!tpu.dma_semaphore, #tpu.memory_space<semaphore_mem>>, %arg9: memref<!tpu.dma_semaphore, #tpu.memory_space<semaphore_mem>>) attributes {dimension_semantics = [#tpu.dimension_semantics<core_parallel>, #tpu.dimension_semantics<subcore_parallel>], iteration_bounds = array<i64: 2, 16>, scalar_prefetch = 0 : i64, scratch_operands = 5 : i64, tpu.core_type = #tpu.core_type<sc_vector_subcore>, window_params = [{transform_indices = #map}, {transform_indices = #map1}, {transform_indices = #map1}]} {
    %mul3A = arith.constant 2 : i32
    %mul3A_0 = arith.muli %arg1, %mul3A : i32
    %add3A = arith.addi %mul3A_0, %arg0 : i32
    %mul3A_1 = arith.constant 960 : i32
    %mul3A_2 = arith.muli %add3A, %mul3A_1 : i32
    "tpu.region"() ({
      %run_scoped3A = tpu.sem_alloc : memref<!tpu.dma_semaphore, #tpu.memory_space<semaphore_mem>>
      %dma_start3A_97 = tpu.memref_slice %arg2[%mul3A_2] : memref<30720xi32, #tpu.memory_space<hbm>> -> memref<960xi32, #tpu.memory_space<hbm>>
      %dma_start3A_98 = tpu.memref_slice %arg2[%mul3A_2] : memref<30720xi32, #tpu.memory_space<hbm>> -> memref<960xi32, #tpu.memory_space<hbm>>
      tpu.enqueue_dma source(%dma_start3A_98 : memref<960xi32, #tpu.memory_space<hbm>>) target(%arg5 : memref<960xi32, #tpu.memory_space<vmem>>) target_semaphore(%run_scoped3A : memref<!tpu.dma_semaphore, #tpu.memory_space<semaphore_mem>>)
      %dma_wait3A_99 = tpu.memref_slice %arg2[%mul3A_2] : memref<30720xi32, #tpu.memory_space<hbm>> -> memref<960xi32, #tpu.memory_space<hbm>>
      %dma_wait3A_100 = tpu.memref_slice %arg2[%mul3A_2] : memref<30720xi32, #tpu.memory_space<hbm>> -> memref<960xi32, #tpu.memory_space<hbm>>
      tpu.wait_dma2 semaphore(%run_scoped3A : memref<!tpu.dma_semaphore, #tpu.memory_space<semaphore_mem>>) src(%dma_wait3A_100 : memref<960xi32, #tpu.memory_space<hbm>>) dst(%arg5 : memref<960xi32, #tpu.memory_space<vmem>>)
      tpu.yield
    }) : () -> ()
    %dma_start3A = arith.constant 0 : i32
    %dma_start3A_3 = tpu.memref_slice %arg5[%dma_start3A] : memref<960xi32, #tpu.memory_space<vmem>> -> memref<120xi32, #tpu.memory_space<vmem>>
    %dma_start3A_4 = arith.constant 0 : i32
    %dma_start3A_5 = arith.constant 0 : i32
    %dma_start3A_6 = tpu.memref_slice %arg3[%dma_start3A_4, %dma_start3A_5] : memref<100000x64xf32, #tpu.memory_space<hbm>> -> memref<100000x64xf32, #tpu.memory_space<hbm>>
    tpu.enqueue_indirect_dma source(%dma_start3A_6 : memref<100000x64xf32, #tpu.memory_space<hbm>>) target(%arg6 : memref<120x64xf32, #tpu.memory_space<vmem>>) offsets(%dma_start3A_3 : memref<120xi32, #tpu.memory_space<vmem>>) semaphore(%arg8 : memref<!tpu.dma_semaphore, #tpu.memory_space<semaphore_mem>>)
    %dma_start3A_7 = arith.constant 120 : i32
    %dma_start3A_8 = tpu.memref_slice %arg5[%dma_start3A_7] : memref<960xi32, #tpu.memory_space<vmem>> -> memref<120xi32, #tpu.memory_space<vmem>>
    %dma_start3A_9 = arith.constant 0 : i32
    %dma_start3A_10 = arith.constant 0 : i32
    %dma_start3A_11 = tpu.memref_slice %arg3[%dma_start3A_9, %dma_start3A_10] : memref<100000x64xf32, #tpu.memory_space<hbm>> -> memref<100000x64xf32, #tpu.memory_space<hbm>>
    tpu.enqueue_indirect_dma source(%dma_start3A_11 : memref<100000x64xf32, #tpu.memory_space<hbm>>) target(%arg7 : memref<120x64xf32, #tpu.memory_space<vmem>>) offsets(%dma_start3A_8 : memref<120xi32, #tpu.memory_space<vmem>>) semaphore(%arg9 : memref<!tpu.dma_semaphore, #tpu.memory_space<semaphore_mem>>)
    %dma_wait3A = arith.constant 0 : i32
    %dma_wait3A_12 = tpu.memref_slice %arg5[%dma_wait3A] : memref<960xi32, #tpu.memory_space<vmem>> -> memref<120xi32, #tpu.memory_space<vmem>>
    %dma_wait3A_13 = arith.constant 0 : i32
    %dma_wait3A_14 = arith.constant 0 : i32
    %dma_wait3A_15 = tpu.memref_slice %arg3[%dma_wait3A_13, %dma_wait3A_14] : memref<100000x64xf32, #tpu.memory_space<hbm>> -> memref<100000x64xf32, #tpu.memory_space<hbm>>
    tpu.wait_indirect_dma semaphore(%arg8 : memref<!tpu.dma_semaphore, #tpu.memory_space<semaphore_mem>>) src(%dma_wait3A_15 : memref<100000x64xf32, #tpu.memory_space<hbm>>) dst(%arg6 : memref<120x64xf32, #tpu.memory_space<vmem>>)
    %add3A_16 = arith.constant 0 : i32
    %add3A_17 = arith.addi %mul3A_2, %add3A_16 : i32
    "tpu.region"() ({
      %run_scoped3A = tpu.sem_alloc : memref<!tpu.dma_semaphore, #tpu.memory_space<semaphore_mem>>
      %dma_start3A_97 = arith.constant 0 : i32
      %dma_start3A_98 = tpu.memref_slice %arg4[%add3A_17, %dma_start3A_97] : memref<30720x128xf32, #tpu.memory_space<hbm>> -> memref<120x64xf32, #tpu.memory_space<hbm>>
      %dma_start3A_99 = arith.constant 0 : i32
      %dma_start3A_100 = tpu.memref_slice %arg4[%add3A_17, %dma_start3A_99] : memref<30720x128xf32, #tpu.memory_space<hbm>> -> memref<120x64xf32, #tpu.memory_space<hbm>>
      tpu.enqueue_dma source(%arg6 : memref<120x64xf32, #tpu.memory_space<vmem>>) target(%dma_start3A_100 : memref<120x64xf32, #tpu.memory_space<hbm>>) target_semaphore(%run_scoped3A : memref<!tpu.dma_semaphore, #tpu.memory_space<semaphore_mem>>)
      %dma_wait3A_101 = arith.constant 0 : i32
      %dma_wait3A_102 = tpu.memref_slice %arg4[%add3A_17, %dma_wait3A_101] : memref<30720x128xf32, #tpu.memory_space<hbm>> -> memref<120x64xf32, #tpu.memory_space<hbm>>
      %dma_wait3A_103 = arith.constant 0 : i32
      %dma_wait3A_104 = tpu.memref_slice %arg4[%add3A_17, %dma_wait3A_103] : memref<30720x128xf32, #tpu.memory_space<hbm>> -> memref<120x64xf32, #tpu.memory_space<hbm>>
      tpu.wait_dma2 semaphore(%run_scoped3A : memref<!tpu.dma_semaphore, #tpu.memory_space<semaphore_mem>>) src(%arg6 : memref<120x64xf32, #tpu.memory_space<vmem>>) dst(%dma_wait3A_104 : memref<120x64xf32, #tpu.memory_space<hbm>>)
      tpu.yield
    }) : () -> ()
    %dma_start3A_18 = arith.constant 240 : i32
    %dma_start3A_19 = tpu.memref_slice %arg5[%dma_start3A_18] : memref<960xi32, #tpu.memory_space<vmem>> -> memref<120xi32, #tpu.memory_space<vmem>>
    %dma_start3A_20 = arith.constant 0 : i32
    %dma_start3A_21 = arith.constant 0 : i32
    %dma_start3A_22 = tpu.memref_slice %arg3[%dma_start3A_20, %dma_start3A_21] : memref<100000x64xf32, #tpu.memory_space<hbm>> -> memref<100000x64xf32, #tpu.memory_space<hbm>>
    tpu.enqueue_indirect_dma source(%dma_start3A_22 : memref<100000x64xf32, #tpu.memory_space<hbm>>) target(%arg6 : memref<120x64xf32, #tpu.memory_space<vmem>>) offsets(%dma_start3A_19 : memref<120xi32, #tpu.memory_space<vmem>>) semaphore(%arg8 : memref<!tpu.dma_semaphore, #tpu.memory_space<semaphore_mem>>)
    %dma_wait3A_23 = arith.constant 120 : i32
    %dma_wait3A_24 = tpu.memref_slice %arg5[%dma_wait3A_23] : memref<960xi32, #tpu.memory_space<vmem>> -> memref<120xi32, #tpu.memory_space<vmem>>
    %dma_wait3A_25 = arith.constant 0 : i32
    %dma_wait3A_26 = arith.constant 0 : i32
    %dma_wait3A_27 = tpu.memref_slice %arg3[%dma_wait3A_25, %dma_wait3A_26] : memref<100000x64xf32, #tpu.memory_space<hbm>> -> memref<100000x64xf32, #tpu.memory_space<hbm>>
    tpu.wait_indirect_dma semaphore(%arg9 : memref<!tpu.dma_semaphore, #tpu.memory_space<semaphore_mem>>) src(%dma_wait3A_27 : memref<100000x64xf32, #tpu.memory_space<hbm>>) dst(%arg7 : memref<120x64xf32, #tpu.memory_space<vmem>>)
    %add3A_28 = arith.constant 120 : i32
    %add3A_29 = arith.addi %mul3A_2, %add3A_28 : i32
    "tpu.region"() ({
      %run_scoped3A = tpu.sem_alloc : memref<!tpu.dma_semaphore, #tpu.memory_space<semaphore_mem>>
      %dma_start3A_97 = arith.constant 0 : i32
      %dma_start3A_98 = tpu.memref_slice %arg4[%add3A_29, %dma_start3A_97] : memref<30720x128xf32, #tpu.memory_space<hbm>> -> memref<120x64xf32, #tpu.memory_space<hbm>>
      %dma_start3A_99 = arith.constant 0 : i32
      %dma_start3A_100 = tpu.memref_slice %arg4[%add3A_29, %dma_start3A_99] : memref<30720x128xf32, #tpu.memory_space<hbm>> -> memref<120x64xf32, #tpu.memory_space<hbm>>
      tpu.enqueue_dma source(%arg7 : memref<120x64xf32, #tpu.memory_space<vmem>>) target(%dma_start3A_100 : memref<120x64xf32, #tpu.memory_space<hbm>>) target_semaphore(%run_scoped3A : memref<!tpu.dma_semaphore, #tpu.memory_space<semaphore_mem>>)
      %dma_wait3A_101 = arith.constant 0 : i32
      %dma_wait3A_102 = tpu.memref_slice %arg4[%add3A_29, %dma_wait3A_101] : memref<30720x128xf32, #tpu.memory_space<hbm>> -> memref<120x64xf32, #tpu.memory_space<hbm>>
      %dma_wait3A_103 = arith.constant 0 : i32
      %dma_wait3A_104 = tpu.memref_slice %arg4[%add3A_29, %dma_wait3A_103] : memref<30720x128xf32, #tpu.memory_space<hbm>> -> memref<120x64xf32, #tpu.memory_space<hbm>>
      tpu.wait_dma2 semaphore(%run_scoped3A : memref<!tpu.dma_semaphore, #tpu.memory_space<semaphore_mem>>) src(%arg7 : memref<120x64xf32, #tpu.memory_space<vmem>>) dst(%dma_wait3A_104 : memref<120x64xf32, #tpu.memory_space<hbm>>)
      tpu.yield
    }) : () -> ()
    %dma_start3A_30 = arith.constant 360 : i32
    %dma_start3A_31 = tpu.memref_slice %arg5[%dma_start3A_30] : memref<960xi32, #tpu.memory_space<vmem>> -> memref<120xi32, #tpu.memory_space<vmem>>
    %dma_start3A_32 = arith.constant 0 : i32
    %dma_start3A_33 = arith.constant 0 : i32
    %dma_start3A_34 = tpu.memref_slice %arg3[%dma_start3A_32, %dma_start3A_33] : memref<100000x64xf32, #tpu.memory_space<hbm>> -> memref<100000x64xf32, #tpu.memory_space<hbm>>
    tpu.enqueue_indirect_dma source(%dma_start3A_34 : memref<100000x64xf32, #tpu.memory_space<hbm>>) target(%arg7 : memref<120x64xf32, #tpu.memory_space<vmem>>) offsets(%dma_start3A_31 : memref<120xi32, #tpu.memory_space<vmem>>) semaphore(%arg9 : memref<!tpu.dma_semaphore, #tpu.memory_space<semaphore_mem>>)
    %dma_wait3A_35 = arith.constant 240 : i32
    %dma_wait3A_36 = tpu.memref_slice %arg5[%dma_wait3A_35] : memref<960xi32, #tpu.memory_space<vmem>> -> memref<120xi32, #tpu.memory_space<vmem>>
    %dma_wait3A_37 = arith.constant 0 : i32
    %dma_wait3A_38 = arith.constant 0 : i32
    %dma_wait3A_39 = tpu.memref_slice %arg3[%dma_wait3A_37, %dma_wait3A_38] : memref<100000x64xf32, #tpu.memory_space<hbm>> -> memref<100000x64xf32, #tpu.memory_space<hbm>>
    tpu.wait_indirect_dma semaphore(%arg8 : memref<!tpu.dma_semaphore, #tpu.memory_space<semaphore_mem>>) src(%dma_wait3A_39 : memref<100000x64xf32, #tpu.memory_space<hbm>>) dst(%arg6 : memref<120x64xf32, #tpu.memory_space<vmem>>)
    %add3A_40 = arith.constant 240 : i32
    %add3A_41 = arith.addi %mul3A_2, %add3A_40 : i32
    "tpu.region"() ({
      %run_scoped3A = tpu.sem_alloc : memref<!tpu.dma_semaphore, #tpu.memory_space<semaphore_mem>>
      %dma_start3A_97 = arith.constant 0 : i32
      %dma_start3A_98 = tpu.memref_slice %arg4[%add3A_41, %dma_start3A_97] : memref<30720x128xf32, #tpu.memory_space<hbm>> -> memref<120x64xf32, #tpu.memory_space<hbm>>
      %dma_start3A_99 = arith.constant 0 : i32
      %dma_start3A_100 = tpu.memref_slice %arg4[%add3A_41, %dma_start3A_99] : memref<30720x128xf32, #tpu.memory_space<hbm>> -> memref<120x64xf32, #tpu.memory_space<hbm>>
      tpu.enqueue_dma source(%arg6 : memref<120x64xf32, #tpu.memory_space<vmem>>) target(%dma_start3A_100 : memref<120x64xf32, #tpu.memory_space<hbm>>) target_semaphore(%run_scoped3A : memref<!tpu.dma_semaphore, #tpu.memory_space<semaphore_mem>>)
      %dma_wait3A_101 = arith.constant 0 : i32
      %dma_wait3A_102 = tpu.memref_slice %arg4[%add3A_41, %dma_wait3A_101] : memref<30720x128xf32, #tpu.memory_space<hbm>> -> memref<120x64xf32, #tpu.memory_space<hbm>>
      %dma_wait3A_103 = arith.constant 0 : i32
      %dma_wait3A_104 = tpu.memref_slice %arg4[%add3A_41, %dma_wait3A_103] : memref<30720x128xf32, #tpu.memory_space<hbm>> -> memref<120x64xf32, #tpu.memory_space<hbm>>
      tpu.wait_dma2 semaphore(%run_scoped3A : memref<!tpu.dma_semaphore, #tpu.memory_space<semaphore_mem>>) src(%arg6 : memref<120x64xf32, #tpu.memory_space<vmem>>) dst(%dma_wait3A_104 : memref<120x64xf32, #tpu.memory_space<hbm>>)
      tpu.yield
    }) : () -> ()
    %dma_start3A_42 = arith.constant 480 : i32
    %dma_start3A_43 = tpu.memref_slice %arg5[%dma_start3A_42] : memref<960xi32, #tpu.memory_space<vmem>> -> memref<120xi32, #tpu.memory_space<vmem>>
    %dma_start3A_44 = arith.constant 0 : i32
    %dma_start3A_45 = arith.constant 0 : i32
    %dma_start3A_46 = tpu.memref_slice %arg3[%dma_start3A_44, %dma_start3A_45] : memref<100000x64xf32, #tpu.memory_space<hbm>> -> memref<100000x64xf32, #tpu.memory_space<hbm>>
    tpu.enqueue_indirect_dma source(%dma_start3A_46 : memref<100000x64xf32, #tpu.memory_space<hbm>>) target(%arg6 : memref<120x64xf32, #tpu.memory_space<vmem>>) offsets(%dma_start3A_43 : memref<120xi32, #tpu.memory_space<vmem>>) semaphore(%arg8 : memref<!tpu.dma_semaphore, #tpu.memory_space<semaphore_mem>>)
    %dma_wait3A_47 = arith.constant 360 : i32
    %dma_wait3A_48 = tpu.memref_slice %arg5[%dma_wait3A_47] : memref<960xi32, #tpu.memory_space<vmem>> -> memref<120xi32, #tpu.memory_space<vmem>>
    %dma_wait3A_49 = arith.constant 0 : i32
    %dma_wait3A_50 = arith.constant 0 : i32
    %dma_wait3A_51 = tpu.memref_slice %arg3[%dma_wait3A_49, %dma_wait3A_50] : memref<100000x64xf32, #tpu.memory_space<hbm>> -> memref<100000x64xf32, #tpu.memory_space<hbm>>
    tpu.wait_indirect_dma semaphore(%arg9 : memref<!tpu.dma_semaphore, #tpu.memory_space<semaphore_mem>>) src(%dma_wait3A_51 : memref<100000x64xf32, #tpu.memory_space<hbm>>) dst(%arg7 : memref<120x64xf32, #tpu.memory_space<vmem>>)
    %add3A_52 = arith.constant 360 : i32
    %add3A_53 = arith.addi %mul3A_2, %add3A_52 : i32
    "tpu.region"() ({
      %run_scoped3A = tpu.sem_alloc : memref<!tpu.dma_semaphore, #tpu.memory_space<semaphore_mem>>
      %dma_start3A_97 = arith.constant 0 : i32
      %dma_start3A_98 = tpu.memref_slice %arg4[%add3A_53, %dma_start3A_97] : memref<30720x128xf32, #tpu.memory_space<hbm>> -> memref<120x64xf32, #tpu.memory_space<hbm>>
      %dma_start3A_99 = arith.constant 0 : i32
      %dma_start3A_100 = tpu.memref_slice %arg4[%add3A_53, %dma_start3A_99] : memref<30720x128xf32, #tpu.memory_space<hbm>> -> memref<120x64xf32, #tpu.memory_space<hbm>>
      tpu.enqueue_dma source(%arg7 : memref<120x64xf32, #tpu.memory_space<vmem>>) target(%dma_start3A_100 : memref<120x64xf32, #tpu.memory_space<hbm>>) target_semaphore(%run_scoped3A : memref<!tpu.dma_semaphore, #tpu.memory_space<semaphore_mem>>)
      %dma_wait3A_101 = arith.constant 0 : i32
      %dma_wait3A_102 = tpu.memref_slice %arg4[%add3A_53, %dma_wait3A_101] : memref<30720x128xf32, #tpu.memory_space<hbm>> -> memref<120x64xf32, #tpu.memory_space<hbm>>
      %dma_wait3A_103 = arith.constant 0 : i32
      %dma_wait3A_104 = tpu.memref_slice %arg4[%add3A_53, %dma_wait3A_103] : memref<30720x128xf32, #tpu.memory_space<hbm>> -> memref<120x64xf32, #tpu.memory_space<hbm>>
      tpu.wait_dma2 semaphore(%run_scoped3A : memref<!tpu.dma_semaphore, #tpu.memory_space<semaphore_mem>>) src(%arg7 : memref<120x64xf32, #tpu.memory_space<vmem>>) dst(%dma_wait3A_104 : memref<120x64xf32, #tpu.memory_space<hbm>>)
      tpu.yield
    }) : () -> ()
    %dma_start3A_54 = arith.constant 600 : i32
    %dma_start3A_55 = tpu.memref_slice %arg5[%dma_start3A_54] : memref<960xi32, #tpu.memory_space<vmem>> -> memref<120xi32, #tpu.memory_space<vmem>>
    %dma_start3A_56 = arith.constant 0 : i32
    %dma_start3A_57 = arith.constant 0 : i32
    %dma_start3A_58 = tpu.memref_slice %arg3[%dma_start3A_56, %dma_start3A_57] : memref<100000x64xf32, #tpu.memory_space<hbm>> -> memref<100000x64xf32, #tpu.memory_space<hbm>>
    tpu.enqueue_indirect_dma source(%dma_start3A_58 : memref<100000x64xf32, #tpu.memory_space<hbm>>) target(%arg7 : memref<120x64xf32, #tpu.memory_space<vmem>>) offsets(%dma_start3A_55 : memref<120xi32, #tpu.memory_space<vmem>>) semaphore(%arg9 : memref<!tpu.dma_semaphore, #tpu.memory_space<semaphore_mem>>)
    %dma_wait3A_59 = arith.constant 480 : i32
    %dma_wait3A_60 = tpu.memref_slice %arg5[%dma_wait3A_59] : memref<960xi32, #tpu.memory_space<vmem>> -> memref<120xi32, #tpu.memory_space<vmem>>
    %dma_wait3A_61 = arith.constant 0 : i32
    %dma_wait3A_62 = arith.constant 0 : i32
    %dma_wait3A_63 = tpu.memref_slice %arg3[%dma_wait3A_61, %dma_wait3A_62] : memref<100000x64xf32, #tpu.memory_space<hbm>> -> memref<100000x64xf32, #tpu.memory_space<hbm>>
    tpu.wait_indirect_dma semaphore(%arg8 : memref<!tpu.dma_semaphore, #tpu.memory_space<semaphore_mem>>) src(%dma_wait3A_63 : memref<100000x64xf32, #tpu.memory_space<hbm>>) dst(%arg6 : memref<120x64xf32, #tpu.memory_space<vmem>>)
    %add3A_64 = arith.constant 480 : i32
    %add3A_65 = arith.addi %mul3A_2, %add3A_64 : i32
    "tpu.region"() ({
      %run_scoped3A = tpu.sem_alloc : memref<!tpu.dma_semaphore, #tpu.memory_space<semaphore_mem>>
      %dma_start3A_97 = arith.constant 0 : i32
      %dma_start3A_98 = tpu.memref_slice %arg4[%add3A_65, %dma_start3A_97] : memref<30720x128xf32, #tpu.memory_space<hbm>> -> memref<120x64xf32, #tpu.memory_space<hbm>>
      %dma_start3A_99 = arith.constant 0 : i32
      %dma_start3A_100 = tpu.memref_slice %arg4[%add3A_65, %dma_start3A_99] : memref<30720x128xf32, #tpu.memory_space<hbm>> -> memref<120x64xf32, #tpu.memory_space<hbm>>
      tpu.enqueue_dma source(%arg6 : memref<120x64xf32, #tpu.memory_space<vmem>>) target(%dma_start3A_100 : memref<120x64xf32, #tpu.memory_space<hbm>>) target_semaphore(%run_scoped3A : memref<!tpu.dma_semaphore, #tpu.memory_space<semaphore_mem>>)
      %dma_wait3A_101 = arith.constant 0 : i32
      %dma_wait3A_102 = tpu.memref_slice %arg4[%add3A_65, %dma_wait3A_101] : memref<30720x128xf32, #tpu.memory_space<hbm>> -> memref<120x64xf32, #tpu.memory_space<hbm>>
      %dma_wait3A_103 = arith.constant 0 : i32
      %dma_wait3A_104 = tpu.memref_slice %arg4[%add3A_65, %dma_wait3A_103] : memref<30720x128xf32, #tpu.memory_space<hbm>> -> memref<120x64xf32, #tpu.memory_space<hbm>>
      tpu.wait_dma2 semaphore(%run_scoped3A : memref<!tpu.dma_semaphore, #tpu.memory_space<semaphore_mem>>) src(%arg6 : memref<120x64xf32, #tpu.memory_space<vmem>>) dst(%dma_wait3A_104 : memref<120x64xf32, #tpu.memory_space<hbm>>)
      tpu.yield
    }) : () -> ()
    %dma_start3A_66 = arith.constant 720 : i32
    %dma_start3A_67 = tpu.memref_slice %arg5[%dma_start3A_66] : memref<960xi32, #tpu.memory_space<vmem>> -> memref<120xi32, #tpu.memory_space<vmem>>
    %dma_start3A_68 = arith.constant 0 : i32
    %dma_start3A_69 = arith.constant 0 : i32
    %dma_start3A_70 = tpu.memref_slice %arg3[%dma_start3A_68, %dma_start3A_69] : memref<100000x64xf32, #tpu.memory_space<hbm>> -> memref<100000x64xf32, #tpu.memory_space<hbm>>
    tpu.enqueue_indirect_dma source(%dma_start3A_70 : memref<100000x64xf32, #tpu.memory_space<hbm>>) target(%arg6 : memref<120x64xf32, #tpu.memory_space<vmem>>) offsets(%dma_start3A_67 : memref<120xi32, #tpu.memory_space<vmem>>) semaphore(%arg8 : memref<!tpu.dma_semaphore, #tpu.memory_space<semaphore_mem>>)
    %dma_wait3A_71 = arith.constant 600 : i32
    %dma_wait3A_72 = tpu.memref_slice %arg5[%dma_wait3A_71] : memref<960xi32, #tpu.memory_space<vmem>> -> memref<120xi32, #tpu.memory_space<vmem>>
    %dma_wait3A_73 = arith.constant 0 : i32
    %dma_wait3A_74 = arith.constant 0 : i32
    %dma_wait3A_75 = tpu.memref_slice %arg3[%dma_wait3A_73, %dma_wait3A_74] : memref<100000x64xf32, #tpu.memory_space<hbm>> -> memref<100000x64xf32, #tpu.memory_space<hbm>>
    tpu.wait_indirect_dma semaphore(%arg9 : memref<!tpu.dma_semaphore, #tpu.memory_space<semaphore_mem>>) src(%dma_wait3A_75 : memref<100000x64xf32, #tpu.memory_space<hbm>>) dst(%arg7 : memref<120x64xf32, #tpu.memory_space<vmem>>)
    %add3A_76 = arith.constant 600 : i32
    %add3A_77 = arith.addi %mul3A_2, %add3A_76 : i32
    "tpu.region"() ({
      %run_scoped3A = tpu.sem_alloc : memref<!tpu.dma_semaphore, #tpu.memory_space<semaphore_mem>>
      %dma_start3A_97 = arith.constant 0 : i32
      %dma_start3A_98 = tpu.memref_slice %arg4[%add3A_77, %dma_start3A_97] : memref<30720x128xf32, #tpu.memory_space<hbm>> -> memref<120x64xf32, #tpu.memory_space<hbm>>
      %dma_start3A_99 = arith.constant 0 : i32
      %dma_start3A_100 = tpu.memref_slice %arg4[%add3A_77, %dma_start3A_99] : memref<30720x128xf32, #tpu.memory_space<hbm>> -> memref<120x64xf32, #tpu.memory_space<hbm>>
      tpu.enqueue_dma source(%arg7 : memref<120x64xf32, #tpu.memory_space<vmem>>) target(%dma_start3A_100 : memref<120x64xf32, #tpu.memory_space<hbm>>) target_semaphore(%run_scoped3A : memref<!tpu.dma_semaphore, #tpu.memory_space<semaphore_mem>>)
      %dma_wait3A_101 = arith.constant 0 : i32
      %dma_wait3A_102 = tpu.memref_slice %arg4[%add3A_77, %dma_wait3A_101] : memref<30720x128xf32, #tpu.memory_space<hbm>> -> memref<120x64xf32, #tpu.memory_space<hbm>>
      %dma_wait3A_103 = arith.constant 0 : i32
      %dma_wait3A_104 = tpu.memref_slice %arg4[%add3A_77, %dma_wait3A_103] : memref<30720x128xf32, #tpu.memory_space<hbm>> -> memref<120x64xf32, #tpu.memory_space<hbm>>
      tpu.wait_dma2 semaphore(%run_scoped3A : memref<!tpu.dma_semaphore, #tpu.memory_space<semaphore_mem>>) src(%arg7 : memref<120x64xf32, #tpu.memory_space<vmem>>) dst(%dma_wait3A_104 : memref<120x64xf32, #tpu.memory_space<hbm>>)
      tpu.yield
    }) : () -> ()
    %dma_start3A_78 = arith.constant 840 : i32
    %dma_start3A_79 = tpu.memref_slice %arg5[%dma_start3A_78] : memref<960xi32, #tpu.memory_space<vmem>> -> memref<120xi32, #tpu.memory_space<vmem>>
    %dma_start3A_80 = arith.constant 0 : i32
    %dma_start3A_81 = arith.constant 0 : i32
    %dma_start3A_82 = tpu.memref_slice %arg3[%dma_start3A_80, %dma_start3A_81] : memref<100000x64xf32, #tpu.memory_space<hbm>> -> memref<100000x64xf32, #tpu.memory_space<hbm>>
    tpu.enqueue_indirect_dma source(%dma_start3A_82 : memref<100000x64xf32, #tpu.memory_space<hbm>>) target(%arg7 : memref<120x64xf32, #tpu.memory_space<vmem>>) offsets(%dma_start3A_79 : memref<120xi32, #tpu.memory_space<vmem>>) semaphore(%arg9 : memref<!tpu.dma_semaphore, #tpu.memory_space<semaphore_mem>>)
    %dma_wait3A_83 = arith.constant 720 : i32
    %dma_wait3A_84 = tpu.memref_slice %arg5[%dma_wait3A_83] : memref<960xi32, #tpu.memory_space<vmem>> -> memref<120xi32, #tpu.memory_space<vmem>>
    %dma_wait3A_85 = arith.constant 0 : i32
    %dma_wait3A_86 = arith.constant 0 : i32
    %dma_wait3A_87 = tpu.memref_slice %arg3[%dma_wait3A_85, %dma_wait3A_86] : memref<100000x64xf32, #tpu.memory_space<hbm>> -> memref<100000x64xf32, #tpu.memory_space<hbm>>
    tpu.wait_indirect_dma semaphore(%arg8 : memref<!tpu.dma_semaphore, #tpu.memory_space<semaphore_mem>>) src(%dma_wait3A_87 : memref<100000x64xf32, #tpu.memory_space<hbm>>) dst(%arg6 : memref<120x64xf32, #tpu.memory_space<vmem>>)
    %add3A_88 = arith.constant 720 : i32
    %add3A_89 = arith.addi %mul3A_2, %add3A_88 : i32
    "tpu.region"() ({
      %run_scoped3A = tpu.sem_alloc : memref<!tpu.dma_semaphore, #tpu.memory_space<semaphore_mem>>
      %dma_start3A_97 = arith.constant 0 : i32
      %dma_start3A_98 = tpu.memref_slice %arg4[%add3A_89, %dma_start3A_97] : memref<30720x128xf32, #tpu.memory_space<hbm>> -> memref<120x64xf32, #tpu.memory_space<hbm>>
      %dma_start3A_99 = arith.constant 0 : i32
      %dma_start3A_100 = tpu.memref_slice %arg4[%add3A_89, %dma_start3A_99] : memref<30720x128xf32, #tpu.memory_space<hbm>> -> memref<120x64xf32, #tpu.memory_space<hbm>>
      tpu.enqueue_dma source(%arg6 : memref<120x64xf32, #tpu.memory_space<vmem>>) target(%dma_start3A_100 : memref<120x64xf32, #tpu.memory_space<hbm>>) target_semaphore(%run_scoped3A : memref<!tpu.dma_semaphore, #tpu.memory_space<semaphore_mem>>)
      %dma_wait3A_101 = arith.constant 0 : i32
      %dma_wait3A_102 = tpu.memref_slice %arg4[%add3A_89, %dma_wait3A_101] : memref<30720x128xf32, #tpu.memory_space<hbm>> -> memref<120x64xf32, #tpu.memory_space<hbm>>
      %dma_wait3A_103 = arith.constant 0 : i32
      %dma_wait3A_104 = tpu.memref_slice %arg4[%add3A_89, %dma_wait3A_103] : memref<30720x128xf32, #tpu.memory_space<hbm>> -> memref<120x64xf32, #tpu.memory_space<hbm>>
      tpu.wait_dma2 semaphore(%run_scoped3A : memref<!tpu.dma_semaphore, #tpu.memory_space<semaphore_mem>>) src(%arg6 : memref<120x64xf32, #tpu.memory_space<vmem>>) dst(%dma_wait3A_104 : memref<120x64xf32, #tpu.memory_space<hbm>>)
      tpu.yield
    }) : () -> ()
    %dma_wait3A_90 = arith.constant 840 : i32
    %dma_wait3A_91 = tpu.memref_slice %arg5[%dma_wait3A_90] : memref<960xi32, #tpu.memory_space<vmem>> -> memref<120xi32, #tpu.memory_space<vmem>>
    %dma_wait3A_92 = arith.constant 0 : i32
    %dma_wait3A_93 = arith.constant 0 : i32
    %dma_wait3A_94 = tpu.memref_slice %arg3[%dma_wait3A_92, %dma_wait3A_93] : memref<100000x64xf32, #tpu.memory_space<hbm>> -> memref<100000x64xf32, #tpu.memory_space<hbm>>
    tpu.wait_indirect_dma semaphore(%arg9 : memref<!tpu.dma_semaphore, #tpu.memory_space<semaphore_mem>>) src(%dma_wait3A_94 : memref<100000x64xf32, #tpu.memory_space<hbm>>) dst(%arg7 : memref<120x64xf32, #tpu.memory_space<vmem>>)
    %add3A_95 = arith.constant 840 : i32
    %add3A_96 = arith.addi %mul3A_2, %add3A_95 : i32
    "tpu.region"() ({
      %run_scoped3A = tpu.sem_alloc : memref<!tpu.dma_semaphore, #tpu.memory_space<semaphore_mem>>
      %dma_start3A_97 = arith.constant 0 : i32
      %dma_start3A_98 = tpu.memref_slice %arg4[%add3A_96, %dma_start3A_97] : memref<30720x128xf32, #tpu.memory_space<hbm>> -> memref<120x64xf32, #tpu.memory_space<hbm>>
      %dma_start3A_99 = arith.constant 0 : i32
      %dma_start3A_100 = tpu.memref_slice %arg4[%add3A_96, %dma_start3A_99] : memref<30720x128xf32, #tpu.memory_space<hbm>> -> memref<120x64xf32, #tpu.memory_space<hbm>>
      tpu.enqueue_dma source(%arg7 : memref<120x64xf32, #tpu.memory_space<vmem>>) target(%dma_start3A_100 : memref<120x64xf32, #tpu.memory_space<hbm>>) target_semaphore(%run_scoped3A : memref<!tpu.dma_semaphore, #tpu.memory_space<semaphore_mem>>)
      %dma_wait3A_101 = arith.constant 0 : i32
      %dma_wait3A_102 = tpu.memref_slice %arg4[%add3A_96, %dma_wait3A_101] : memref<30720x128xf32, #tpu.memory_space<hbm>> -> memref<120x64xf32, #tpu.memory_space<hbm>>
      %dma_wait3A_103 = arith.constant 0 : i32
      %dma_wait3A_104 = tpu.memref_slice %arg4[%add3A_96, %dma_wait3A_103] : memref<30720x128xf32, #tpu.memory_space<hbm>> -> memref<120x64xf32, #tpu.memory_space<hbm>>
      tpu.wait_dma2 semaphore(%run_scoped3A : memref<!tpu.dma_semaphore, #tpu.memory_space<semaphore_mem>>) src(%arg7 : memref<120x64xf32, #tpu.memory_space<vmem>>) dst(%dma_wait3A_104 : memref<120x64xf32, #tpu.memory_space<hbm>>)
      tpu.yield
    }) : () -> ()
    return
  }
}

#map = affine_map<(d0, d1) -> (0)>
#map1 = affine_map<(d0, d1) -> (0, 0)>
module attributes {stable_mosaic.version = 14 : i64} {
  func.func @gather_k(%arg0: i32, %arg1: i32, %arg2: memref<30720xi32, #tpu.memory_space<hbm>>, %arg3: memref<100000x64xf32, #tpu.memory_space<hbm>>, %arg4: memref<30720x128xf32, #tpu.memory_space<hbm>>, %arg5: memref<960xi32, #tpu.memory_space<vmem>>, %arg6: memref<120x64xf32, #tpu.memory_space<vmem>>, %arg7: memref<120x64xf32, #tpu.memory_space<vmem>>, %arg8: memref<!tpu.dma_semaphore, #tpu.memory_space<semaphore_mem>>, %arg9: memref<!tpu.dma_semaphore, #tpu.memory_space<semaphore_mem>>) attributes {dimension_semantics = [#tpu.dimension_semantics<core_parallel>, #tpu.dimension_semantics<subcore_parallel>], iteration_bounds = array<i64: 2, 16>, scalar_prefetch = 0 : i64, scratch_operands = 5 : i64, tpu.core_type = #tpu.core_type<sc_vector_subcore>, window_params = [{transform_indices = #map}, {transform_indices = #map1}, {transform_indices = #map1}]} {
    %mul3A = arith.constant 2 : i32
    %mul3A_0 = arith.muli %arg1, %mul3A : i32
    %add3A = arith.addi %mul3A_0, %arg0 : i32
    %mul3A_1 = arith.constant 960 : i32
    %mul3A_2 = arith.muli %add3A, %mul3A_1 : i32
    "tpu.region"() ({
      %run_scoped3A = tpu.sem_alloc : memref<!tpu.dma_semaphore, #tpu.memory_space<semaphore_mem>>
      %dma_start3A_97 = tpu.memref_slice %arg2[%mul3A_2] : memref<30720xi32, #tpu.memory_space<hbm>> -> memref<960xi32, #tpu.memory_space<hbm>>
      %dma_start3A_98 = tpu.memref_slice %arg2[%mul3A_2] : memref<30720xi32, #tpu.memory_space<hbm>> -> memref<960xi32, #tpu.memory_space<hbm>>
      tpu.enqueue_dma source(%dma_start3A_98 : memref<960xi32, #tpu.memory_space<hbm>>) target(%arg5 : memref<960xi32, #tpu.memory_space<vmem>>) target_semaphore(%run_scoped3A : memref<!tpu.dma_semaphore, #tpu.memory_space<semaphore_mem>>)
      %dma_wait3A_99 = tpu.memref_slice %arg2[%mul3A_2] : memref<30720xi32, #tpu.memory_space<hbm>> -> memref<960xi32, #tpu.memory_space<hbm>>
      %dma_wait3A_100 = tpu.memref_slice %arg2[%mul3A_2] : memref<30720xi32, #tpu.memory_space<hbm>> -> memref<960xi32, #tpu.memory_space<hbm>>
      tpu.wait_dma2 semaphore(%run_scoped3A : memref<!tpu.dma_semaphore, #tpu.memory_space<semaphore_mem>>) src(%dma_wait3A_100 : memref<960xi32, #tpu.memory_space<hbm>>) dst(%arg5 : memref<960xi32, #tpu.memory_space<vmem>>)
      tpu.yield
    }) : () -> ()
    %dma_start3A = arith.constant 0 : i32
    %dma_start3A_3 = tpu.memref_slice %arg5[%dma_start3A] : memref<960xi32, #tpu.memory_space<vmem>> -> memref<120xi32, #tpu.memory_space<vmem>>
    %dma_start3A_4 = arith.constant 0 : i32
    %dma_start3A_5 = arith.constant 0 : i32
    %dma_start3A_6 = tpu.memref_slice %arg3[%dma_start3A_4, %dma_start3A_5] : memref<100000x64xf32, #tpu.memory_space<hbm>> -> memref<100000x64xf32, #tpu.memory_space<hbm>>
    tpu.enqueue_indirect_dma source(%dma_start3A_6 : memref<100000x64xf32, #tpu.memory_space<hbm>>) target(%arg6 : memref<120x64xf32, #tpu.memory_space<vmem>>) offsets(%dma_start3A_3 : memref<120xi32, #tpu.memory_space<vmem>>) semaphore(%arg8 : memref<!tpu.dma_semaphore, #tpu.memory_space<semaphore_mem>>)
    %dma_start3A_7 = arith.constant 120 : i32
    %dma_start3A_8 = tpu.memref_slice %arg5[%dma_start3A_7] : memref<960xi32, #tpu.memory_space<vmem>> -> memref<120xi32, #tpu.memory_space<vmem>>
    %dma_start3A_9 = arith.constant 0 : i32
    %dma_start3A_10 = arith.constant 0 : i32
    %dma_start3A_11 = tpu.memref_slice %arg3[%dma_start3A_9, %dma_start3A_10] : memref<100000x64xf32, #tpu.memory_space<hbm>> -> memref<100000x64xf32, #tpu.memory_space<hbm>>
    tpu.enqueue_indirect_dma source(%dma_start3A_11 : memref<100000x64xf32, #tpu.memory_space<hbm>>) target(%arg7 : memref<120x64xf32, #tpu.memory_space<vmem>>) offsets(%dma_start3A_8 : memref<120xi32, #tpu.memory_space<vmem>>) semaphore(%arg9 : memref<!tpu.dma_semaphore, #tpu.memory_space<semaphore_mem>>)
    %dma_wait3A = arith.constant 0 : i32
    %dma_wait3A_12 = tpu.memref_slice %arg5[%dma_wait3A] : memref<960xi32, #tpu.memory_space<vmem>> -> memref<120xi32, #tpu.memory_space<vmem>>
    %dma_wait3A_13 = arith.constant 0 : i32
    %dma_wait3A_14 = arith.constant 0 : i32
    %dma_wait3A_15 = tpu.memref_slice %arg3[%dma_wait3A_13, %dma_wait3A_14] : memref<100000x64xf32, #tpu.memory_space<hbm>> -> memref<100000x64xf32, #tpu.memory_space<hbm>>
    tpu.wait_indirect_dma semaphore(%arg8 : memref<!tpu.dma_semaphore, #tpu.memory_space<semaphore_mem>>) src(%dma_wait3A_15 : memref<100000x64xf32, #tpu.memory_space<hbm>>) dst(%arg6 : memref<120x64xf32, #tpu.memory_space<vmem>>)
    %add3A_16 = arith.constant 0 : i32
    %add3A_17 = arith.addi %mul3A_2, %add3A_16 : i32
    "tpu.region"() ({
      %run_scoped3A = tpu.sem_alloc : memref<!tpu.dma_semaphore, #tpu.memory_space<semaphore_mem>>
      %dma_start3A_97 = arith.constant 0 : i32
      %dma_start3A_98 = tpu.memref_slice %arg4[%add3A_17, %dma_start3A_97] : memref<30720x128xf32, #tpu.memory_space<hbm>> -> memref<120x64xf32, #tpu.memory_space<hbm>>
      %dma_start3A_99 = arith.constant 0 : i32
      %dma_start3A_100 = tpu.memref_slice %arg4[%add3A_17, %dma_start3A_99] : memref<30720x128xf32, #tpu.memory_space<hbm>> -> memref<120x64xf32, #tpu.memory_space<hbm>>
      tpu.enqueue_dma source(%arg6 : memref<120x64xf32, #tpu.memory_space<vmem>>) target(%dma_start3A_100 : memref<120x64xf32, #tpu.memory_space<hbm>>) target_semaphore(%run_scoped3A : memref<!tpu.dma_semaphore, #tpu.memory_space<semaphore_mem>>)
      %dma_wait3A_101 = arith.constant 0 : i32
      %dma_wait3A_102 = tpu.memref_slice %arg4[%add3A_17, %dma_wait3A_101] : memref<30720x128xf32, #tpu.memory_space<hbm>> -> memref<120x64xf32, #tpu.memory_space<hbm>>
      %dma_wait3A_103 = arith.constant 0 : i32
      %dma_wait3A_104 = tpu.memref_slice %arg4[%add3A_17, %dma_wait3A_103] : memref<30720x128xf32, #tpu.memory_space<hbm>> -> memref<120x64xf32, #tpu.memory_space<hbm>>
      tpu.wait_dma2 semaphore(%run_scoped3A : memref<!tpu.dma_semaphore, #tpu.memory_space<semaphore_mem>>) src(%arg6 : memref<120x64xf32, #tpu.memory_space<vmem>>) dst(%dma_wait3A_104 : memref<120x64xf32, #tpu.memory_space<hbm>>)
      tpu.yield
    }) : () -> ()
    %dma_start3A_18 = arith.constant 240 : i32
    %dma_start3A_19 = tpu.memref_slice %arg5[%dma_start3A_18] : memref<960xi32, #tpu.memory_space<vmem>> -> memref<120xi32, #tpu.memory_space<vmem>>
    %dma_start3A_20 = arith.constant 0 : i32
    %dma_start3A_21 = arith.constant 0 : i32
    %dma_start3A_22 = tpu.memref_slice %arg3[%dma_start3A_20, %dma_start3A_21] : memref<100000x64xf32, #tpu.memory_space<hbm>> -> memref<100000x64xf32, #tpu.memory_space<hbm>>
    tpu.enqueue_indirect_dma source(%dma_start3A_22 : memref<100000x64xf32, #tpu.memory_space<hbm>>) target(%arg6 : memref<120x64xf32, #tpu.memory_space<vmem>>) offsets(%dma_start3A_19 : memref<120xi32, #tpu.memory_space<vmem>>) semaphore(%arg8 : memref<!tpu.dma_semaphore, #tpu.memory_space<semaphore_mem>>)
    %dma_wait3A_23 = arith.constant 120 : i32
    %dma_wait3A_24 = tpu.memref_slice %arg5[%dma_wait3A_23] : memref<960xi32, #tpu.memory_space<vmem>> -> memref<120xi32, #tpu.memory_space<vmem>>
    %dma_wait3A_25 = arith.constant 0 : i32
    %dma_wait3A_26 = arith.constant 0 : i32
    %dma_wait3A_27 = tpu.memref_slice %arg3[%dma_wait3A_25, %dma_wait3A_26] : memref<100000x64xf32, #tpu.memory_space<hbm>> -> memref<100000x64xf32, #tpu.memory_space<hbm>>
    tpu.wait_indirect_dma semaphore(%arg9 : memref<!tpu.dma_semaphore, #tpu.memory_space<semaphore_mem>>) src(%dma_wait3A_27 : memref<100000x64xf32, #tpu.memory_space<hbm>>) dst(%arg7 : memref<120x64xf32, #tpu.memory_space<vmem>>)
    %add3A_28 = arith.constant 120 : i32
    %add3A_29 = arith.addi %mul3A_2, %add3A_28 : i32
    "tpu.region"() ({
      %run_scoped3A = tpu.sem_alloc : memref<!tpu.dma_semaphore, #tpu.memory_space<semaphore_mem>>
      %dma_start3A_97 = arith.constant 0 : i32
      %dma_start3A_98 = tpu.memref_slice %arg4[%add3A_29, %dma_start3A_97] : memref<30720x128xf32, #tpu.memory_space<hbm>> -> memref<120x64xf32, #tpu.memory_space<hbm>>
      %dma_start3A_99 = arith.constant 0 : i32
      %dma_start3A_100 = tpu.memref_slice %arg4[%add3A_29, %dma_start3A_99] : memref<30720x128xf32, #tpu.memory_space<hbm>> -> memref<120x64xf32, #tpu.memory_space<hbm>>
      tpu.enqueue_dma source(%arg7 : memref<120x64xf32, #tpu.memory_space<vmem>>) target(%dma_start3A_100 : memref<120x64xf32, #tpu.memory_space<hbm>>) target_semaphore(%run_scoped3A : memref<!tpu.dma_semaphore, #tpu.memory_space<semaphore_mem>>)
      %dma_wait3A_101 = arith.constant 0 : i32
      %dma_wait3A_102 = tpu.memref_slice %arg4[%add3A_29, %dma_wait3A_101] : memref<30720x128xf32, #tpu.memory_space<hbm>> -> memref<120x64xf32, #tpu.memory_space<hbm>>
      %dma_wait3A_103 = arith.constant 0 : i32
      %dma_wait3A_104 = tpu.memref_slice %arg4[%add3A_29, %dma_wait3A_103] : memref<30720x128xf32, #tpu.memory_space<hbm>> -> memref<120x64xf32, #tpu.memory_space<hbm>>
      tpu.wait_dma2 semaphore(%run_scoped3A : memref<!tpu.dma_semaphore, #tpu.memory_space<semaphore_mem>>) src(%arg7 : memref<120x64xf32, #tpu.memory_space<vmem>>) dst(%dma_wait3A_104 : memref<120x64xf32, #tpu.memory_space<hbm>>)
      tpu.yield
    }) : () -> ()
    %dma_start3A_30 = arith.constant 360 : i32
    %dma_start3A_31 = tpu.memref_slice %arg5[%dma_start3A_30] : memref<960xi32, #tpu.memory_space<vmem>> -> memref<120xi32, #tpu.memory_space<vmem>>
    %dma_start3A_32 = arith.constant 0 : i32
    %dma_start3A_33 = arith.constant 0 : i32
    %dma_start3A_34 = tpu.memref_slice %arg3[%dma_start3A_32, %dma_start3A_33] : memref<100000x64xf32, #tpu.memory_space<hbm>> -> memref<100000x64xf32, #tpu.memory_space<hbm>>
    tpu.enqueue_indirect_dma source(%dma_start3A_34 : memref<100000x64xf32, #tpu.memory_space<hbm>>) target(%arg7 : memref<120x64xf32, #tpu.memory_space<vmem>>) offsets(%dma_start3A_31 : memref<120xi32, #tpu.memory_space<vmem>>) semaphore(%arg9 : memref<!tpu.dma_semaphore, #tpu.memory_space<semaphore_mem>>)
    %dma_wait3A_35 = arith.constant 240 : i32
    %dma_wait3A_36 = tpu.memref_slice %arg5[%dma_wait3A_35] : memref<960xi32, #tpu.memory_space<vmem>> -> memref<120xi32, #tpu.memory_space<vmem>>
    %dma_wait3A_37 = arith.constant 0 : i32
    %dma_wait3A_38 = arith.constant 0 : i32
    %dma_wait3A_39 = tpu.memref_slice %arg3[%dma_wait3A_37, %dma_wait3A_38] : memref<100000x64xf32, #tpu.memory_space<hbm>> -> memref<100000x64xf32, #tpu.memory_space<hbm>>
    tpu.wait_indirect_dma semaphore(%arg8 : memref<!tpu.dma_semaphore, #tpu.memory_space<semaphore_mem>>) src(%dma_wait3A_39 : memref<100000x64xf32, #tpu.memory_space<hbm>>) dst(%arg6 : memref<120x64xf32, #tpu.memory_space<vmem>>)
    %add3A_40 = arith.constant 240 : i32
    %add3A_41 = arith.addi %mul3A_2, %add3A_40 : i32
    "tpu.region"() ({
      %run_scoped3A = tpu.sem_alloc : memref<!tpu.dma_semaphore, #tpu.memory_space<semaphore_mem>>
      %dma_start3A_97 = arith.constant 0 : i32
      %dma_start3A_98 = tpu.memref_slice %arg4[%add3A_41, %dma_start3A_97] : memref<30720x128xf32, #tpu.memory_space<hbm>> -> memref<120x64xf32, #tpu.memory_space<hbm>>
      %dma_start3A_99 = arith.constant 0 : i32
      %dma_start3A_100 = tpu.memref_slice %arg4[%add3A_41, %dma_start3A_99] : memref<30720x128xf32, #tpu.memory_space<hbm>> -> memref<120x64xf32, #tpu.memory_space<hbm>>
      tpu.enqueue_dma source(%arg6 : memref<120x64xf32, #tpu.memory_space<vmem>>) target(%dma_start3A_100 : memref<120x64xf32, #tpu.memory_space<hbm>>) target_semaphore(%run_scoped3A : memref<!tpu.dma_semaphore, #tpu.memory_space<semaphore_mem>>)
      %dma_wait3A_101 = arith.constant 0 : i32
      %dma_wait3A_102 = tpu.memref_slice %arg4[%add3A_41, %dma_wait3A_101] : memref<30720x128xf32, #tpu.memory_space<hbm>> -> memref<120x64xf32, #tpu.memory_space<hbm>>
      %dma_wait3A_103 = arith.constant 0 : i32
      %dma_wait3A_104 = tpu.memref_slice %arg4[%add3A_41, %dma_wait3A_103] : memref<30720x128xf32, #tpu.memory_space<hbm>> -> memref<120x64xf32, #tpu.memory_space<hbm>>
      tpu.wait_dma2 semaphore(%run_scoped3A : memref<!tpu.dma_semaphore, #tpu.memory_space<semaphore_mem>>) src(%arg6 : memref<120x64xf32, #tpu.memory_space<vmem>>) dst(%dma_wait3A_104 : memref<120x64xf32, #tpu.memory_space<hbm>>)
      tpu.yield
    }) : () -> ()
    %dma_start3A_42 = arith.constant 480 : i32
    %dma_start3A_43 = tpu.memref_slice %arg5[%dma_start3A_42] : memref<960xi32, #tpu.memory_space<vmem>> -> memref<120xi32, #tpu.memory_space<vmem>>
    %dma_start3A_44 = arith.constant 0 : i32
    %dma_start3A_45 = arith.constant 0 : i32
    %dma_start3A_46 = tpu.memref_slice %arg3[%dma_start3A_44, %dma_start3A_45] : memref<100000x64xf32, #tpu.memory_space<hbm>> -> memref<100000x64xf32, #tpu.memory_space<hbm>>
    tpu.enqueue_indirect_dma source(%dma_start3A_46 : memref<100000x64xf32, #tpu.memory_space<hbm>>) target(%arg6 : memref<120x64xf32, #tpu.memory_space<vmem>>) offsets(%dma_start3A_43 : memref<120xi32, #tpu.memory_space<vmem>>) semaphore(%arg8 : memref<!tpu.dma_semaphore, #tpu.memory_space<semaphore_mem>>)
    %dma_wait3A_47 = arith.constant 360 : i32
    %dma_wait3A_48 = tpu.memref_slice %arg5[%dma_wait3A_47] : memref<960xi32, #tpu.memory_space<vmem>> -> memref<120xi32, #tpu.memory_space<vmem>>
    %dma_wait3A_49 = arith.constant 0 : i32
    %dma_wait3A_50 = arith.constant 0 : i32
    %dma_wait3A_51 = tpu.memref_slice %arg3[%dma_wait3A_49, %dma_wait3A_50] : memref<100000x64xf32, #tpu.memory_space<hbm>> -> memref<100000x64xf32, #tpu.memory_space<hbm>>
    tpu.wait_indirect_dma semaphore(%arg9 : memref<!tpu.dma_semaphore, #tpu.memory_space<semaphore_mem>>) src(%dma_wait3A_51 : memref<100000x64xf32, #tpu.memory_space<hbm>>) dst(%arg7 : memref<120x64xf32, #tpu.memory_space<vmem>>)
    %add3A_52 = arith.constant 360 : i32
    %add3A_53 = arith.addi %mul3A_2, %add3A_52 : i32
    "tpu.region"() ({
      %run_scoped3A = tpu.sem_alloc : memref<!tpu.dma_semaphore, #tpu.memory_space<semaphore_mem>>
      %dma_start3A_97 = arith.constant 0 : i32
      %dma_start3A_98 = tpu.memref_slice %arg4[%add3A_53, %dma_start3A_97] : memref<30720x128xf32, #tpu.memory_space<hbm>> -> memref<120x64xf32, #tpu.memory_space<hbm>>
      %dma_start3A_99 = arith.constant 0 : i32
      %dma_start3A_100 = tpu.memref_slice %arg4[%add3A_53, %dma_start3A_99] : memref<30720x128xf32, #tpu.memory_space<hbm>> -> memref<120x64xf32, #tpu.memory_space<hbm>>
      tpu.enqueue_dma source(%arg7 : memref<120x64xf32, #tpu.memory_space<vmem>>) target(%dma_start3A_100 : memref<120x64xf32, #tpu.memory_space<hbm>>) target_semaphore(%run_scoped3A : memref<!tpu.dma_semaphore, #tpu.memory_space<semaphore_mem>>)
      %dma_wait3A_101 = arith.constant 0 : i32
      %dma_wait3A_102 = tpu.memref_slice %arg4[%add3A_53, %dma_wait3A_101] : memref<30720x128xf32, #tpu.memory_space<hbm>> -> memref<120x64xf32, #tpu.memory_space<hbm>>
      %dma_wait3A_103 = arith.constant 0 : i32
      %dma_wait3A_104 = tpu.memref_slice %arg4[%add3A_53, %dma_wait3A_103] : memref<30720x128xf32, #tpu.memory_space<hbm>> -> memref<120x64xf32, #tpu.memory_space<hbm>>
      tpu.wait_dma2 semaphore(%run_scoped3A : memref<!tpu.dma_semaphore, #tpu.memory_space<semaphore_mem>>) src(%arg7 : memref<120x64xf32, #tpu.memory_space<vmem>>) dst(%dma_wait3A_104 : memref<120x64xf32, #tpu.memory_space<hbm>>)
      tpu.yield
    }) : () -> ()
    %dma_start3A_54 = arith.constant 600 : i32
    %dma_start3A_55 = tpu.memref_slice %arg5[%dma_start3A_54] : memref<960xi32, #tpu.memory_space<vmem>> -> memref<120xi32, #tpu.memory_space<vmem>>
    %dma_start3A_56 = arith.constant 0 : i32
    %dma_start3A_57 = arith.constant 0 : i32
    %dma_start3A_58 = tpu.memref_slice %arg3[%dma_start3A_56, %dma_start3A_57] : memref<100000x64xf32, #tpu.memory_space<hbm>> -> memref<100000x64xf32, #tpu.memory_space<hbm>>
    tpu.enqueue_indirect_dma source(%dma_start3A_58 : memref<100000x64xf32, #tpu.memory_space<hbm>>) target(%arg7 : memref<120x64xf32, #tpu.memory_space<vmem>>) offsets(%dma_start3A_55 : memref<120xi32, #tpu.memory_space<vmem>>) semaphore(%arg9 : memref<!tpu.dma_semaphore, #tpu.memory_space<semaphore_mem>>)
    %dma_wait3A_59 = arith.constant 480 : i32
    %dma_wait3A_60 = tpu.memref_slice %arg5[%dma_wait3A_59] : memref<960xi32, #tpu.memory_space<vmem>> -> memref<120xi32, #tpu.memory_space<vmem>>
    %dma_wait3A_61 = arith.constant 0 : i32
    %dma_wait3A_62 = arith.constant 0 : i32
    %dma_wait3A_63 = tpu.memref_slice %arg3[%dma_wait3A_61, %dma_wait3A_62] : memref<100000x64xf32, #tpu.memory_space<hbm>> -> memref<100000x64xf32, #tpu.memory_space<hbm>>
    tpu.wait_indirect_dma semaphore(%arg8 : memref<!tpu.dma_semaphore, #tpu.memory_space<semaphore_mem>>) src(%dma_wait3A_63 : memref<100000x64xf32, #tpu.memory_space<hbm>>) dst(%arg6 : memref<120x64xf32, #tpu.memory_space<vmem>>)
    %add3A_64 = arith.constant 480 : i32
    %add3A_65 = arith.addi %mul3A_2, %add3A_64 : i32
    "tpu.region"() ({
      %run_scoped3A = tpu.sem_alloc : memref<!tpu.dma_semaphore, #tpu.memory_space<semaphore_mem>>
      %dma_start3A_97 = arith.constant 0 : i32
      %dma_start3A_98 = tpu.memref_slice %arg4[%add3A_65, %dma_start3A_97] : memref<30720x128xf32, #tpu.memory_space<hbm>> -> memref<120x64xf32, #tpu.memory_space<hbm>>
      %dma_start3A_99 = arith.constant 0 : i32
      %dma_start3A_100 = tpu.memref_slice %arg4[%add3A_65, %dma_start3A_99] : memref<30720x128xf32, #tpu.memory_space<hbm>> -> memref<120x64xf32, #tpu.memory_space<hbm>>
      tpu.enqueue_dma source(%arg6 : memref<120x64xf32, #tpu.memory_space<vmem>>) target(%dma_start3A_100 : memref<120x64xf32, #tpu.memory_space<hbm>>) target_semaphore(%run_scoped3A : memref<!tpu.dma_semaphore, #tpu.memory_space<semaphore_mem>>)
      %dma_wait3A_101 = arith.constant 0 : i32
      %dma_wait3A_102 = tpu.memref_slice %arg4[%add3A_65, %dma_wait3A_101] : memref<30720x128xf32, #tpu.memory_space<hbm>> -> memref<120x64xf32, #tpu.memory_space<hbm>>
      %dma_wait3A_103 = arith.constant 0 : i32
      %dma_wait3A_104 = tpu.memref_slice %arg4[%add3A_65, %dma_wait3A_103] : memref<30720x128xf32, #tpu.memory_space<hbm>> -> memref<120x64xf32, #tpu.memory_space<hbm>>
      tpu.wait_dma2 semaphore(%run_scoped3A : memref<!tpu.dma_semaphore, #tpu.memory_space<semaphore_mem>>) src(%arg6 : memref<120x64xf32, #tpu.memory_space<vmem>>) dst(%dma_wait3A_104 : memref<120x64xf32, #tpu.memory_space<hbm>>)
      tpu.yield
    }) : () -> ()
    %dma_start3A_66 = arith.constant 720 : i32
    %dma_start3A_67 = tpu.memref_slice %arg5[%dma_start3A_66] : memref<960xi32, #tpu.memory_space<vmem>> -> memref<120xi32, #tpu.memory_space<vmem>>
    %dma_start3A_68 = arith.constant 0 : i32
    %dma_start3A_69 = arith.constant 0 : i32
    %dma_start3A_70 = tpu.memref_slice %arg3[%dma_start3A_68, %dma_start3A_69] : memref<100000x64xf32, #tpu.memory_space<hbm>> -> memref<100000x64xf32, #tpu.memory_space<hbm>>
    tpu.enqueue_indirect_dma source(%dma_start3A_70 : memref<100000x64xf32, #tpu.memory_space<hbm>>) target(%arg6 : memref<120x64xf32, #tpu.memory_space<vmem>>) offsets(%dma_start3A_67 : memref<120xi32, #tpu.memory_space<vmem>>) semaphore(%arg8 : memref<!tpu.dma_semaphore, #tpu.memory_space<semaphore_mem>>)
    %dma_wait3A_71 = arith.constant 600 : i32
    %dma_wait3A_72 = tpu.memref_slice %arg5[%dma_wait3A_71] : memref<960xi32, #tpu.memory_space<vmem>> -> memref<120xi32, #tpu.memory_space<vmem>>
    %dma_wait3A_73 = arith.constant 0 : i32
    %dma_wait3A_74 = arith.constant 0 : i32
    %dma_wait3A_75 = tpu.memref_slice %arg3[%dma_wait3A_73, %dma_wait3A_74] : memref<100000x64xf32, #tpu.memory_space<hbm>> -> memref<100000x64xf32, #tpu.memory_space<hbm>>
    tpu.wait_indirect_dma semaphore(%arg9 : memref<!tpu.dma_semaphore, #tpu.memory_space<semaphore_mem>>) src(%dma_wait3A_75 : memref<100000x64xf32, #tpu.memory_space<hbm>>) dst(%arg7 : memref<120x64xf32, #tpu.memory_space<vmem>>)
    %add3A_76 = arith.constant 600 : i32
    %add3A_77 = arith.addi %mul3A_2, %add3A_76 : i32
    "tpu.region"() ({
      %run_scoped3A = tpu.sem_alloc : memref<!tpu.dma_semaphore, #tpu.memory_space<semaphore_mem>>
      %dma_start3A_97 = arith.constant 0 : i32
      %dma_start3A_98 = tpu.memref_slice %arg4[%add3A_77, %dma_start3A_97] : memref<30720x128xf32, #tpu.memory_space<hbm>> -> memref<120x64xf32, #tpu.memory_space<hbm>>
      %dma_start3A_99 = arith.constant 0 : i32
      %dma_start3A_100 = tpu.memref_slice %arg4[%add3A_77, %dma_start3A_99] : memref<30720x128xf32, #tpu.memory_space<hbm>> -> memref<120x64xf32, #tpu.memory_space<hbm>>
      tpu.enqueue_dma source(%arg7 : memref<120x64xf32, #tpu.memory_space<vmem>>) target(%dma_start3A_100 : memref<120x64xf32, #tpu.memory_space<hbm>>) target_semaphore(%run_scoped3A : memref<!tpu.dma_semaphore, #tpu.memory_space<semaphore_mem>>)
      %dma_wait3A_101 = arith.constant 0 : i32
      %dma_wait3A_102 = tpu.memref_slice %arg4[%add3A_77, %dma_wait3A_101] : memref<30720x128xf32, #tpu.memory_space<hbm>> -> memref<120x64xf32, #tpu.memory_space<hbm>>
      %dma_wait3A_103 = arith.constant 0 : i32
      %dma_wait3A_104 = tpu.memref_slice %arg4[%add3A_77, %dma_wait3A_103] : memref<30720x128xf32, #tpu.memory_space<hbm>> -> memref<120x64xf32, #tpu.memory_space<hbm>>
      tpu.wait_dma2 semaphore(%run_scoped3A : memref<!tpu.dma_semaphore, #tpu.memory_space<semaphore_mem>>) src(%arg7 : memref<120x64xf32, #tpu.memory_space<vmem>>) dst(%dma_wait3A_104 : memref<120x64xf32, #tpu.memory_space<hbm>>)
      tpu.yield
    }) : () -> ()
    %dma_start3A_78 = arith.constant 840 : i32
    %dma_start3A_79 = tpu.memref_slice %arg5[%dma_start3A_78] : memref<960xi32, #tpu.memory_space<vmem>> -> memref<120xi32, #tpu.memory_space<vmem>>
    %dma_start3A_80 = arith.constant 0 : i32
    %dma_start3A_81 = arith.constant 0 : i32
    %dma_start3A_82 = tpu.memref_slice %arg3[%dma_start3A_80, %dma_start3A_81] : memref<100000x64xf32, #tpu.memory_space<hbm>> -> memref<100000x64xf32, #tpu.memory_space<hbm>>
    tpu.enqueue_indirect_dma source(%dma_start3A_82 : memref<100000x64xf32, #tpu.memory_space<hbm>>) target(%arg7 : memref<120x64xf32, #tpu.memory_space<vmem>>) offsets(%dma_start3A_79 : memref<120xi32, #tpu.memory_space<vmem>>) semaphore(%arg9 : memref<!tpu.dma_semaphore, #tpu.memory_space<semaphore_mem>>)
    %dma_wait3A_83 = arith.constant 720 : i32
    %dma_wait3A_84 = tpu.memref_slice %arg5[%dma_wait3A_83] : memref<960xi32, #tpu.memory_space<vmem>> -> memref<120xi32, #tpu.memory_space<vmem>>
    %dma_wait3A_85 = arith.constant 0 : i32
    %dma_wait3A_86 = arith.constant 0 : i32
    %dma_wait3A_87 = tpu.memref_slice %arg3[%dma_wait3A_85, %dma_wait3A_86] : memref<100000x64xf32, #tpu.memory_space<hbm>> -> memref<100000x64xf32, #tpu.memory_space<hbm>>
    tpu.wait_indirect_dma semaphore(%arg8 : memref<!tpu.dma_semaphore, #tpu.memory_space<semaphore_mem>>) src(%dma_wait3A_87 : memref<100000x64xf32, #tpu.memory_space<hbm>>) dst(%arg6 : memref<120x64xf32, #tpu.memory_space<vmem>>)
    %add3A_88 = arith.constant 720 : i32
    %add3A_89 = arith.addi %mul3A_2, %add3A_88 : i32
    "tpu.region"() ({
      %run_scoped3A = tpu.sem_alloc : memref<!tpu.dma_semaphore, #tpu.memory_space<semaphore_mem>>
      %dma_start3A_97 = arith.constant 0 : i32
      %dma_start3A_98 = tpu.memref_slice %arg4[%add3A_89, %dma_start3A_97] : memref<30720x128xf32, #tpu.memory_space<hbm>> -> memref<120x64xf32, #tpu.memory_space<hbm>>
      %dma_start3A_99 = arith.constant 0 : i32
      %dma_start3A_100 = tpu.memref_slice %arg4[%add3A_89, %dma_start3A_99] : memref<30720x128xf32, #tpu.memory_space<hbm>> -> memref<120x64xf32, #tpu.memory_space<hbm>>
      tpu.enqueue_dma source(%arg6 : memref<120x64xf32, #tpu.memory_space<vmem>>) target(%dma_start3A_100 : memref<120x64xf32, #tpu.memory_space<hbm>>) target_semaphore(%run_scoped3A : memref<!tpu.dma_semaphore, #tpu.memory_space<semaphore_mem>>)
      %dma_wait3A_101 = arith.constant 0 : i32
      %dma_wait3A_102 = tpu.memref_slice %arg4[%add3A_89, %dma_wait3A_101] : memref<30720x128xf32, #tpu.memory_space<hbm>> -> memref<120x64xf32, #tpu.memory_space<hbm>>
      %dma_wait3A_103 = arith.constant 0 : i32
      %dma_wait3A_104 = tpu.memref_slice %arg4[%add3A_89, %dma_wait3A_103] : memref<30720x128xf32, #tpu.memory_space<hbm>> -> memref<120x64xf32, #tpu.memory_space<hbm>>
      tpu.wait_dma2 semaphore(%run_scoped3A : memref<!tpu.dma_semaphore, #tpu.memory_space<semaphore_mem>>) src(%arg6 : memref<120x64xf32, #tpu.memory_space<vmem>>) dst(%dma_wait3A_104 : memref<120x64xf32, #tpu.memory_space<hbm>>)
      tpu.yield
    }) : () -> ()
    %dma_wait3A_90 = arith.constant 840 : i32
    %dma_wait3A_91 = tpu.memref_slice %arg5[%dma_wait3A_90] : memref<960xi32, #tpu.memory_space<vmem>> -> memref<120xi32, #tpu.memory_space<vmem>>
    %dma_wait3A_92 = arith.constant 0 : i32
    %dma_wait3A_93 = arith.constant 0 : i32
    %dma_wait3A_94 = tpu.memref_slice %arg3[%dma_wait3A_92, %dma_wait3A_93] : memref<100000x64xf32, #tpu.memory_space<hbm>> -> memref<100000x64xf32, #tpu.memory_space<hbm>>
    tpu.wait_indirect_dma semaphore(%arg9 : memref<!tpu.dma_semaphore, #tpu.memory_space<semaphore_mem>>) src(%dma_wait3A_94 : memref<100000x64xf32, #tpu.memory_space<hbm>>) dst(%arg7 : memref<120x64xf32, #tpu.memory_space<vmem>>)
    %add3A_95 = arith.constant 840 : i32
    %add3A_96 = arith.addi %mul3A_2, %add3A_95 : i32
    "tpu.region"() ({
      %run_scoped3A = tpu.sem_alloc : memref<!tpu.dma_semaphore, #tpu.memory_space<semaphore_mem>>
      %dma_start3A_97 = arith.constant 0 : i32
      %dma_start3A_98 = tpu.memref_slice %arg4[%add3A_96, %dma_start3A_97] : memref<30720x128xf32, #tpu.memory_space<hbm>> -> memref<120x64xf32, #tpu.memory_space<hbm>>
      %dma_start3A_99 = arith.constant 0 : i32
      %dma_start3A_100 = tpu.memref_slice %arg4[%add3A_96, %dma_start3A_99] : memref<30720x128xf32, #tpu.memory_space<hbm>> -> memref<120x64xf32, #tpu.memory_space<hbm>>
      tpu.enqueue_dma source(%arg7 : memref<120x64xf32, #tpu.memory_space<vmem>>) target(%dma_start3A_100 : memref<120x64xf32, #tpu.memory_space<hbm>>) target_semaphore(%run_scoped3A : memref<!tpu.dma_semaphore, #tpu.memory_space<semaphore_mem>>)
      %dma_wait3A_101 = arith.constant 0 : i32
      %dma_wait3A_102 = tpu.memref_slice %arg4[%add3A_96, %dma_wait3A_101] : memref<30720x128xf32, #tpu.memory_space<hbm>> -> memref<120x64xf32, #tpu.memory_space<hbm>>
      %dma_wait3A_103 = arith.constant 0 : i32
      %dma_wait3A_104 = tpu.memref_slice %arg4[%add3A_96, %dma_wait3A_103] : memref<30720x128xf32, #tpu.memory_space<hbm>> -> memref<120x64xf32, #tpu.memory_space<hbm>>
      tpu.wait_dma2 semaphore(%run_scoped3A : memref<!tpu.dma_semaphore, #tpu.memory_space<semaphore_mem>>) src(%arg7 : memref<120x64xf32, #tpu.memory_space<vmem>>) dst(%dma_wait3A_104 : memref<120x64xf32, #tpu.memory_space<hbm>>)
      tpu.yield
    }) : () -> ()
    return
  }
}

module attributes {stable_mosaic.version = 14 : i64} {
  func.func @_tc_body(%arg0: i32, %arg1: memref<3840x128xf32, #tpu.memory_space<vmem>>, %arg2: memref<1x1x3840xf32, #tpu.memory_space<vmem>>, %arg3: memref<512x64xf32, #tpu.memory_space<vmem>>, %arg4: memref<512x128xf32, #tpu.memory_space<vmem>>, %arg5: memref<1x128xf32, #tpu.memory_space<vmem>>, %arg6: memref<64x3840xf32, #tpu.memory_space<vmem>>, %arg7: memref<64x128xf32, #tpu.memory_space<vmem>>) attributes {dimension_semantics = [#tpu.dimension_semantics<arbitrary>], iteration_bounds = array<i64: 8>, scalar_prefetch = 0 : i64, scratch_operands = 0 : i64, tpu.core_type = #tpu.core_type<tc>, window_params = [{transform_indices = @transform_0, window_bounds = array<i64: 3840, 128>}, {transform_indices = @transform_1, window_bounds = array<i64: 1, 1, 3840>}, {pipeline_mode = #tpu.pipeline_mode<synchronous>, transform_indices = @transform_2, window_bounds = array<i64: 512, 64>}, {pipeline_mode = #tpu.pipeline_mode<synchronous>, transform_indices = @transform_3, window_bounds = array<i64: 512, 128>}, {pipeline_mode = #tpu.pipeline_mode<synchronous>, transform_indices = @transform_4, window_bounds = array<i64: 1, 128>}, {pipeline_mode = #tpu.pipeline_mode<synchronous>, transform_indices = @transform_5, window_bounds = array<i64: 64, 3840>}, {transform_indices = @transform_6, window_bounds = array<i64: 64, 128>}]} {
    %get3A = arith.constant 0 : index
    %get3A_0 = arith.constant 0 : index
    %get3A_1 = vector.load %arg1[%get3A, %get3A_0] : memref<3840x128xf32, #tpu.memory_space<vmem>>, vector<3840x128xf32>
    %get3A_2 = arith.constant 0 : index
    %get3A_3 = arith.constant 0 : index
    %get3A_4 = vector.load %arg3[%get3A_2, %get3A_3] : memref<512x64xf32, #tpu.memory_space<vmem>>, vector<512x64xf32>
    %get3A_5 = arith.constant 0 : index
    %get3A_6 = arith.constant 0 : index
    %get3A_7 = vector.load %arg4[%get3A_5, %get3A_6] : memref<512x128xf32, #tpu.memory_space<vmem>>, vector<512x128xf32>
    %get3A_8 = arith.constant 0 : index
    %get3A_9 = arith.constant 0 : index
    %get3A_10 = vector.load %arg6[%get3A_8, %get3A_9] : memref<64x3840xf32, #tpu.memory_space<vmem>>, vector<64x3840xf32>
    %get3A_11 = arith.constant 0 : index
    %get3A_12 = arith.constant 0 : index
    %get3A_13 = arith.constant 0 : index
    %get3A_14 = vector.load %arg2[%get3A_11, %get3A_12, %get3A_13] : memref<1x1x3840xf32, #tpu.memory_space<vmem>>, vector<1x1x3840xf32>
    %get3A_15 = vector.shape_cast %get3A_14 : vector<1x1x3840xf32> to vector<1x3840xf32>
    %get3A_16 = arith.constant 0 : index
    %get3A_17 = arith.constant 0 : index
    %get3A_18 = vector.load %arg5[%get3A_16, %get3A_17] : memref<1x128xf32, #tpu.memory_space<vmem>>, vector<1x128xf32>
    %gt3A = arith.constant 5.000000e-01 : f32
    %gt3A_19 = vector.broadcast %gt3A : f32 to vector<1x128xf32>
    %gt3A_20 = arith.cmpf ogt, %get3A_18, %gt3A_19 : vector<1x128xf32>
    %jit3A = arith.constant 0.000000e+00 : f32
    %broadcast_in_dim3A = vector.shape_cast %gt3A_20 : vector<1x128xi1> to vector<1x128xi1>
    %broadcast_in_dim3A_21 = vector.broadcast %broadcast_in_dim3A : vector<1x128xi1> to vector<3840x128xi1>
    %broadcast_in_dim3A_22 = vector.broadcast %jit3A : f32 to vector<3840x128xf32>
    %select_n3A = arith.select %broadcast_in_dim3A_21, %get3A_1, %broadcast_in_dim3A_22 : vector<3840x128xi1>, vector<3840x128xf32>
    %broadcast_in_dim3A_23 = arith.constant 1.000000e+00 : f32
    %broadcast_in_dim3A_24 = vector.broadcast %broadcast_in_dim3A_23 : f32 to vector<1x64xf32>
    %mul3A = arith.mulf %get3A_4, %get3A_4 : vector<512x64xf32>
    %dot_general3A = arith.constant dense<0.000000e+00> : vector<1x512xf32>
    %dot_general3A_25 = tpu.matmul %broadcast_in_dim3A_24, %mul3A, %dot_general3A {dimension_numbers = #tpu.dot_dimension_numbers<[1], [1], [0], [0], [0, 0, 1, 0], [], []>, transpose_lhs_hint = false} : vector<1x64xf32>, vector<512x64xf32>, vector<1x512xf32> -> vector<1x512xf32>
    %dot_general3A_26 = arith.constant dense<0.000000e+00> : vector<3840x512xf32>
    %dot_general3A_27 = tpu.matmul %select_n3A, %get3A_7, %dot_general3A_26 {dimension_numbers = #tpu.dot_dimension_numbers<[1], [1], [0], [0], [0, 0, 1, 0], [], []>, transpose_lhs_hint = false} : vector<3840x128xf32>, vector<512x128xf32>, vector<3840x512xf32> -> vector<3840x512xf32>
    %mul3A_28 = arith.constant 2.000000e+00 : f32
    %mul3A_29 = vector.broadcast %mul3A_28 : f32 to vector<3840x512xf32>
    %mul3A_30 = arith.mulf %mul3A_29, %dot_general3A_27 : vector<3840x512xf32>
    %sub3A = vector.broadcast %dot_general3A_25 : vector<1x512xf32> to vector<3840x512xf32>
    %sub3A_31 = arith.subf %sub3A, %mul3A_30 : vector<3840x512xf32>
    %reduce_min3A = arith.constant dense<0x7F800000> : vector<3840xf32>
    %reduce_min3A_32 = vector.multi_reduction <minimumf>, %sub3A_31, %reduce_min3A [1] : vector<3840x512xf32> to vector<3840xf32>
    %broadcast_in_dim3A_33 = vector.shape_cast %reduce_min3A_32 : vector<3840xf32> to vector<3840x1xf32>
    %le3A = vector.broadcast %broadcast_in_dim3A_33 : vector<3840x1xf32> to vector<3840x512xf32>
    %le3A_34 = arith.cmpf ole, %sub3A_31, %le3A : vector<3840x512xf32>
    %convert_element_type3A = arith.extui %le3A_34 : vector<3840x512xi1> to vector<3840x512xi32>
    %convert_element_type3A_35 = arith.sitofp %convert_element_type3A : vector<3840x512xi32> to vector<3840x512xf32>
    %dot_general3A_36 = arith.constant dense<0.000000e+00> : vector<64x512xf32>
    %dot_general3A_37 = tpu.matmul %get3A_10, %convert_element_type3A_35, %dot_general3A_36 {dimension_numbers = #tpu.dot_dimension_numbers<[1], [0], [0], [1], [0, 0, 1, 1], [], []>, transpose_lhs_hint = false} : vector<64x3840xf32>, vector<3840x512xf32>, vector<64x512xf32> -> vector<64x512xf32>
    %dot_general3A_38 = arith.constant dense<0.000000e+00> : vector<64x64xf32>
    %dot_general3A_39 = tpu.matmul %dot_general3A_37, %get3A_4, %dot_general3A_38 {dimension_numbers = #tpu.dot_dimension_numbers<[1], [0], [0], [1], [0, 0, 1, 1], [], []>, transpose_lhs_hint = false} : vector<64x512xf32>, vector<512x64xf32>, vector<64x64xf32> -> vector<64x64xf32>
    %mul3A_40 = vector.broadcast %get3A_15 : vector<1x3840xf32> to vector<64x3840xf32>
    %mul3A_41 = arith.mulf %get3A_10, %mul3A_40 : vector<64x3840xf32>
    %dot_general3A_42 = arith.constant dense<0.000000e+00> : vector<64x128xf32>
    %dot_general3A_43 = tpu.matmul %mul3A_41, %select_n3A, %dot_general3A_42 {dimension_numbers = #tpu.dot_dimension_numbers<[1], [0], [0], [1], [0, 0, 1, 1], [], []>, transpose_lhs_hint = false} : vector<64x3840xf32>, vector<3840x128xf32>, vector<64x128xf32> -> vector<64x128xf32>
    %reduce_sum3A = arith.constant dense<0.000000e+00> : vector<64xf32>
    %reduce_sum3A_44 = vector.multi_reduction <add>, %mul3A_41, %reduce_sum3A [1] : vector<64x3840xf32> to vector<64xf32>
    %broadcast_in_dim3A_45 = vector.shape_cast %reduce_sum3A_44 : vector<64xf32> to vector<64x1xf32>
    %max3A = arith.constant 1.000000e+00 : f32
    %max3A_46 = vector.broadcast %max3A : f32 to vector<64x1xf32>
    %max3A_47 = arith.maximumf %broadcast_in_dim3A_45, %max3A_46 : vector<64x1xf32>
    %div3A = vector.broadcast %max3A_47 : vector<64x1xf32> to vector<64x64xf32>
    %div3A_48 = arith.divf %dot_general3A_39, %div3A : vector<64x64xf32>
    %swap3A = arith.constant 0 : index
    %swap3A_49 = arith.constant 0 : index
    %swap3A_50 = vector.load %arg7[%swap3A, %swap3A_49] : memref<64x128xf32, #tpu.memory_space<vmem>>, vector<64x64xf32>
    tpu.vector_store %arg7[%swap3A, %swap3A_49], %div3A_48 {strides = array<i32>} : memref<64x128xf32, #tpu.memory_space<vmem>>, vector<64x64xf32>,
    %slice3A = vector.extract_strided_slice %dot_general3A_43 {offsets = [0, 0], sizes = [64, 64], strides = [1, 1]} : vector<64x128xf32> to vector<64x64xf32>
    %div3A_51 = vector.broadcast %max3A_47 : vector<64x1xf32> to vector<64x64xf32>
    %div3A_52 = arith.divf %slice3A, %div3A_51 : vector<64x64xf32>
    %swap3A_53 = arith.constant 0 : index
    %swap3A_54 = arith.constant 64 : index
    %swap3A_55 = vector.load %arg7[%swap3A_53, %swap3A_54] : memref<64x128xf32, #tpu.memory_space<vmem>>, vector<64x64xf32>
    tpu.vector_store %arg7[%swap3A_53, %swap3A_54], %div3A_52 {strides = array<i32>} : memref<64x128xf32, #tpu.memory_space<vmem>>, vector<64x64xf32>,
    return
  }
  func.func @transform_0(%arg0: i32) -> (i32, i32) {
    %c0_i32 = arith.constant 0 : i32
    %c0_i32_0 = arith.constant 0 : i32
    return %arg0, %c0_i32 : i32, i32
  }
  func.func @transform_1(%arg0: i32) -> (i32, i32, i32) {
    %c0_i32 = arith.constant 0 : i32
    %c0_i32_0 = arith.constant 0 : i32
    %c0_i32_1 = arith.constant 0 : i32
    return %arg0, %c0_i32, %c0_i32_0 : i32, i32, i32
  }
  func.func @transform_2(%arg0: i32) -> (i32, i32) {
    %c0_i32 = arith.constant 0 : i32
    %c0_i32_0 = arith.constant 0 : i32
    %c0_i32_1 = arith.constant 0 : i32
    return %c0_i32, %c0_i32_0 : i32, i32
  }
  func.func @transform_3(%arg0: i32) -> (i32, i32) {
    %c0_i32 = arith.constant 0 : i32
    %c0_i32_0 = arith.constant 0 : i32
    %c0_i32_1 = arith.constant 0 : i32
    return %c0_i32, %c0_i32_0 : i32, i32
  }
  func.func @transform_4(%arg0: i32) -> (i32, i32) {
    %c0_i32 = arith.constant 0 : i32
    %c0_i32_0 = arith.constant 0 : i32
    %c0_i32_1 = arith.constant 0 : i32
    return %c0_i32, %c0_i32_0 : i32, i32
  }
  func.func @transform_5(%arg0: i32) -> (i32, i32) {
    %c0_i32 = arith.constant 0 : i32
    %c0_i32_0 = arith.constant 0 : i32
    %c0_i32_1 = arith.constant 0 : i32
    return %c0_i32, %c0_i32_0 : i32, i32
  }
  func.func @transform_6(%arg0: i32) -> (i32, i32) {
    %c0_i32 = arith.constant 0 : i32
    %c0_i32_0 = arith.constant 0 : i32
    return %arg0, %c0_i32 : i32, i32
  }
}

</mosaic_0001>

<sc_bundles>
// kernel: kernel.6.cloned.1.call-start
scs
__scs_entry_jumppad:
0x0: {  	(pc) =	sbr.rel $0x88, $3  }
0x1: {  	(tag) =	ssettag $0x0;
	lr =	simm.s32 $0x1  }
0x2: {  	[smem:$0x3F9D] =	sst lr;
	_ =	strace $0xD0000000  }
0x3: {  	_ = 	snop  }
0x4: {  	_ = 	snop  }
0x5: {  	_ = 	snop  }
0x6: {  	_ = 	snop  }
0x7: {  	_ = 	snop  }
__scs_overlays_trampoline_lowered:
0x8: {  	[smem:$0x3FAC] =	sst s0  }
0x9: {  	[smem:$0x3FAD] =	sst s1  }
0xa: {  	[smem:$0x3FAE] =	sst s2  }
0xb: {  	[smem:$0x3FAF] =	sst s3  }
0xc: {  	[smem:$0x3FB0] =	sst s4  }
0xd: {  	[smem:$0x3FB1] =	sst s5  }
0xe: {  	[smem:$0x3FB2] =	sst s6  }
0xf: {  	[smem:$0x3FB3] =	sst s7  }
0x10: {  	[smem:$0x3FB4] =	sst s8  }
0x11: {  	[smem:$0x3FB5] =	sst s9;
	s0 =	simm.s32 @!p0 $0x0  }
0x12: {  	s1 =	sld [smem:$0x3F9B];
	s0 =	simm.s32 @p0 $0x1  }
0x13: {  	[smem:$0x3FB6] =	sst s0;
	s0 =	simm.s32 @!p1 $0x0  }
0x14: {  	s2 =	sld [smem:$0x3F9A];
	s0 =	simm.s32 @p1 $0x1  }
0x15: {  	[smem:$0x3FB7] =	sst s0;
	s0 =	simm.s32 @!p2 $0x0  }
0x16: {  	s3 =	sld [smem:$0x3FDB];
	s0 =	simm.s32 @p2 $0x1  }
0x17: {  	s4 =	simm.s32 $0x1BF5;
	[smem:$0x3FB9] =	sst s0  }
0x18: {  	s0 =	sld [smem:$0x3F9C];
	_ =	swait.ge [sflag:s4], $0x0  }
0x19: {  	s7 =	sld [smem:$0x3F9D]  }
0x1a: {  	s8 =	sadd.s32 $0xFFFFE003, lr  }
0x1b: {  	s9 =	sadd.s32 $0xFFFFFEF7, lr;
	s5 =	simm.s32 $0xFFFFFFFF;
	p2 =	slt.u32 s8, $0xFFFFF086  }
0x1c: {  	p1 =	slt.u32 s9, $0xF7A;
	s5 =	simm.s32 @!p2 $0x0  }
0x1d: {  	s5 =	simm.s32 @p1 $0x1;
	p0 =	seq.s32 s7, s2  }
0x1e: {  	s7 =	smul.u32 @!p0 $0xF7A, s2;
	p2 =	seq.s32 @!p0 s5, $0x0  }
0x1f: {  	s9 =	smul.u32 $0xF7A, s1;
	s8 =	simm.s32 @!p0 $0x1BF5;
	p2 =	por !p2, p0  }
0x20: {  	[sflag:s8] =	ssyncset.s32 @!p0 $0xFFFFF086;
	s6 =	sadd.s32 @!p0 s3, s7;
	s7 =	simm.s32 @!p0 $0x108  }
0x21: {  	s3 =	sadd.s32 s3, s9;
	s6 =	sadd.s32 @!p0 $0x88, s6;
	s7 =	simm.s32 @p2 $0x1082  }
0x22: {  	[simem:s7], [sflag:s8] =	dma.local @!p0 [hbm:s6], $0xF7A  }
0x23: {  	s9 =	sor.u32 $0xD0000000, s2;
	s6 =	simm.s32 $0x108;
	_ =	swait.ge @!p0 [sflag:s8], $0x0  }
0x24: {  	s3 =	sadd.s32 $0x88, s3;
	s6 =	simm.s32 @!p1 $0x1082;
	[sflag:s4] =	ssyncset.s32 $0xFFFFF086  }
0x25: {  	[simem:s6], [sflag:s4] =	dma.local [hbm:s3], $0xF7A  }
0x26: {  	[smem:$0x3F9D] =	sst s1;
	(tag) =	ssettag s2;
	_ =	strace s9  }
0x27: {  	s1 =	sld [smem:$0x3FAD]  }
0x28: {  	s2 =	sld [smem:$0x3FAE]  }
0x29: {  	s4 =	sld [smem:$0x3FB0]  }
0x2a: {  	p0 =	seq.s32 s5, $0x0;
	s5 =	sld [smem:$0x3FB1]  }
0x2b: {  	s6 =	sld [smem:$0x3FB2]  }
0x2c: {  	s7 =	sld [smem:$0x3FB3]  }
0x2d: {  	s3 =	simm.s32 $0x108;
	s8 =	sld [smem:$0x3FB4]  }
0x2e: {  	s3 =	simm.s32 @!p0 $0x1082;
	s9 =	sld [smem:$0x3FB5]  }
0x2f: {  	lr =	sadd.s32 s0, s3;
	s0 =	sld [smem:$0x3FAC]  }
0x30: {  	s3 =	sld [smem:$0x3FAF]  }
0x31: {  	[smem:$0x3FB8] =	sst s10  }
0x32: {  	s10 =	sld [smem:$0x3FB6];
	_ =	sdelay $0x3  }
0x33: {  	p0 =	seq.s32 s10, $0x1;
	s10 =	sld [smem:$0x3FB8];
	_ =	sdelay $0x3  }
0x34: {  	[smem:$0x3FB8] =	sst s10  }
0x35: {  	s10 =	sld [smem:$0x3FB7];
	_ =	sdelay $0x3  }
0x36: {  	p1 =	seq.s32 s10, $0x1;
	s10 =	sld [smem:$0x3FB8];
	_ =	sdelay $0x3  }
0x37: {  	[smem:$0x3FB8] =	sst s10  }
0x38: {  	s10 =	sld [smem:$0x3FB9]  }
0x39: {  	_ = 	snop;
	(pc) =	sbr.ind lr, $3  }
0x3a: {  	_ = 	snop  }
0x3b: {  	_ = 	snop  }
0x3c: {  	p2 =	seq.s32 s10, $0x1;
	s10 =	sld [smem:$0x3FB8]  }
0x3d: {  	_ =	shalt  }
0x3e: {  	_ =	shalt  }
0x3f: {  	_ =	shalt  }
0x40: {  	_ =	shalt  }
0x41: {  	_ =	shalt  }
0x42: {  	_ =	shalt  }
0x43: {  	_ =	shalt  }
0x44: {  	_ =	shalt  }
0x45: {  	_ =	shalt  }
0x46: {  	_ =	shalt  }
0x47: {  	_ =	shalt  }
0x48: {  	_ =	shalt  }
0x49: {  	_ =	shalt  }
0x4a: {  	_ =	shalt  }
0x4b: {  	_ =	shalt  }
0x4c: {  	_ =	shalt  }
0x4d: {  	_ =	shalt  }
0x4e: {  	_ =	shalt  }
0x4f: {  	_ =	shalt  }
0x50: {  	_ =	shalt  }
0x51: {  	_ =	shalt  }
0x52: {  	_ =	shalt  }
0x53: {  	_ =	shalt  }
0x54: {  	_ =	shalt  }
0x55: {  	_ =	shalt  }
0x56: {  	_ =	shalt  }
0x57: {  	_ =	shalt  }
0x58: {  	_ =	shalt  }
0x59: {  	_ =	shalt  }
0x5a: {  	_ =	shalt  }
0x5b: {  	_ =	shalt  }
0x5c: {  	_ =	shalt  }
0x5d: {  	_ =	shalt  }
0x5e: {  	_ =	shalt  }
0x5f: {  	_ =	shalt  }
0x60: {  	_ =	shalt  }
0x61: {  	_ =	shalt  }
0x62: {  	_ =	shalt  }
0x63: {  	_ =	shalt  }
0x64: {  	_ =	shalt  }
0x65: {  	_ =	shalt  }
0x66: {  	_ =	shalt  }
0x67: {  	_ =	shalt  }
0x68: {  	_ =	shalt  }
0x69: {  	_ =	shalt  }
0x6a: {  	_ =	shalt  }
0x6b: {  	_ =	shalt  }
0x6c: {  	_ =	shalt  }
0x6d: {  	_ =	shalt  }
0x6e: {  	_ =	shalt  }
0x6f: {  	_ =	shalt  }
0x70: {  	_ =	shalt  }
0x71: {  	_ =	shalt  }
0x72: {  	_ =	shalt  }
0x73: {  	_ =	shalt  }
0x74: {  	_ =	shalt  }
0x75: {  	_ =	shalt  }
0x76: {  	_ =	shalt  }
0x77: {  	_ =	shalt  }
0x78: {  	_ =	shalt  }
0x79: {  	_ =	shalt  }
0x7a: {  	_ =	shalt  }
0x7b: {  	_ =	shalt  }
0x7c: {  	_ =	shalt  }
0x7d: {  	_ =	shalt  }
0x7e: {  	_ =	shalt  }
0x7f: {  	_ =	shalt  }
0x80: {  	_ =	shalt  }
0x81: {  	_ =	shalt  }
0x82: {  	_ =	shalt  }
0x83: {  	_ =	shalt  }
0x84: {  	_ =	shalt  }
0x85: {  	_ =	shalt  }
0x86: {  	_ =	shalt  }
0x87: {  	_ =	shalt  }
.Lfunc_end0:
.L_simem_size_0:
called_computation_lowered:
.L_overlay_start_0:
0x88: {  	s2 =	sld [smem:$0x3FD9]  }
0x89: {  	s3 =	sld [smem:$0x3FFE];
	_ =	sdelay $0x1  }
0x8a: {  	s1 =	srdreg.scid  }
0x8b: {  	s0 =	sand.u32 $0x1, s1  }
0x8c: {  	s17 =	sshll.u32 s0, $0xA;
	s2 =	sadd.s32 s3, s2  }
0x8d: {  	s2 =	sadd.s32 s2, s17  }
0x8e: {  	[smem:$0x3FC4] =	sst s2  }
0x8f: {  	_ = 	snop  }
0x90: {  	(tm) =	ssettm $0x1  }
0x91: {  	s18 =	sld [smem:$0x3FFB];
	_ =	sdelay $0x3  }
0x92: {  	_ =	strace s18  }
0x93: {  	s2 =	sld [smem:$0x3FFC];
	_ =	sdelay $0x3  }
0x94: {  	_ =	strace s2  }
0x95: {  	s2 =	sld [smem:$0x3FFD];
	_ =	sdelay $0x3  }
0x96: {  	_ =	strace s2  }
0x97: {  	_ =	strace $0x8FFFFFFF  }
0x98: {  	s19 =	sld [smem:$0x3FDB];
	_ =	sdelay $0x1  }
0x99: {  	s20 =	simm.s32 $_scs_section_size  }
0x9a: {  	s4 =	simm.s32 $_size__tile_overlayer_lowered;
	s5 =	simm.s32 $_tile_overlayer_lowered  }
0x9b: {  	s6 =	simm.s32 $0x1BFF;
	s21 =	sshll.u32 s5, $0x1;
	s3 =	sadd.s32 s20, s19  }
0x9c: {  	s22 =	simm.s32 $0x0;
	s4 =	sshll.u32 s4, $0x1;
	s5 =	sadd.s32 s21, s3  }
0x9d: {  	[timem:s22], [sflag:s6] =	dma.local [hbm:s5], s4  }
0x9e: {  	_ =	swait.ge [sflag:s6], s4  }
0x9f: {  	s4 =	ssub.s32 $0x0, s4;
	[sflag:s6] =	ssyncset.done $0x0  }
0xa0: {  	[sflag:s6] =	ssyncadd.s32 s4;
	_ =	sdelay $0x1  }
0xa1: {  	s23 =	simm.s32 $0x1B8B  }
0xa2: {  	_ =	swait.ge [sflag:s23], $0x1  }
0xa3: {  	[sflag:s23] =	ssyncset.done $0x0  }
0xa4: {  	[sflag:s23] =	ssyncadd.s32 $0xFFFFFFFF  }
0xa5: {  	s4 =	sld [smem:$0x0]  }
0xa6: {  	s5 =	sand.u32 $0xFFFFFFFE, s1  }
0xa7: {  	p0 =	sne.s32 s1, s5  }
0xa8: {  	s5 =	sshll.u32 @p0 s5, $0xE  }
0xa9: {  	s5 =	sadd.s32 @p0 $0x11B8D, s5;
	s6 =	sshll.u32 @p0 s4, $0x11  }
0xaa: {  	s5 =	sor.u32 @p0 s6, s5  }
0xab: {  	[sflag:s5] =	ssyncadd.remote.s32 @p0 $0x1;
	_ =	sdelay $0x1  }
0xac: {  	s5 =	simm.s32 @p0 $0x1B8D  }
0xad: {  	_ =	swait.eq @p0 [sflag:s5], $0x1  }
0xae: {  	[sflag:s5] =	ssyncadd.s32 @p0 $0xFFFFFFFF  }
0xaf: {  	s6 =	sshll.u32 @!p0 s1, $0xE  }
0xb0: {  	s6 =	sor.u32 @!p0 $0x4000, s6;
	s5 =	simm.s32 @!p0 $0x1B8D  }
0xb1: {  	s4 =	sshll.u32 @!p0 s4, $0x11;
	s6 =	sadd.s32 @!p0 $0x11B8D, s6;
	_ =	swait.eq @!p0 [sflag:s5], $0x1  }
0xb2: {  	s4 =	sor.u32 @!p0 s4, s6;
	[sflag:s5] =	ssyncadd.s32 @!p0 $0xFFFFFFFF  }
0xb3: {  	s25 =	simm.s32 $0x1B8E;
	s24 =	sld [smem:$0x3FFE];
	[sflag:s4] =	ssyncadd.remote.s32 @!p0 $0x1  }
0xb4: {  	s26 =	simm.s32 $execute0_lowered;
	[smem:$0x3FD2] =	sst s25  }
0xb5: {  	s5 =	sshll.u32 s26, $0x1;
	_ =	strace $0x80000049;
	[dreg:$0x1] =	wrdreg $0xFFFFFFFF  }
0xb6: {  	s28 =	simm.s32 $_size_execute0_lowered;
	s3 =	sadd.s32 s3, s5;
	[dreg:$0x0] =	wrdreg $0x0  }
0xb7: {  	s5 =	sshll.u32 s28, $0x1;
	[dreg:$0x2] =	wrdreg s3  }
0xb8: {  	[dreg:$0x3] =	wrdreg s5  }
0xb9: {  	[dreg:$0x4] =	wrdreg $0xC0  }
0xba: {  	_ =	task [dreg:s22], $0x5FFFF  }
0xbb: {  	[dreg:$0x1] =	wrdreg $0xFFFFFFFF  }
0xbc: {  	[dreg:$0x0] =	wrdreg $0x60  }
0xbd: {  	[dreg:$0x2] =	wrdreg s24  }
0xbe: {  	[dreg:$0x3] =	wrdreg $0x9  }
0xbf: {  	_ =	task.clear_ibuf [dreg:s22], $0x4FFFF;
	_ =	strace $0x90000049  }
0xc0: {  	s29 =	simm.s32 $0x9;
	_ =	strace $0x8000004B  }
0xc1: {  	_ =	swait.ge [sflag:s29], $0x1  }
0xc2: {  	[sflag:s29] =	ssyncadd.s32 $0xFFFFFFFF  }
0xc3: {  	_ =	strace $0x9000004B  }
0xc4: {  	_ =	sfence  }
0xc5: {  	s30 =	sld [smem:$0x0];
	_ =	sdelay $0x2  }
0xc6: {  	s31 =	sshll.u32 s1, $0xD;
	s1 =	sshrl.u32 s1, $0x2  }
0xc7: {  	s4 =	sand.u32 $0x4000, s31;
	s1 =	sadd.s32 s1, s30  }
0xc8: {  	s0 =	sor.u32 s4, s0;
	s1 =	sshll.u32 s1, $0x11  }
0xc9: {  	s0 =	sor.u32 s1, s0  }
0xca: {  	s0 =	sadd.s32 $0x8F2B, s0  }
0xcb: {  	[sflag:s0] =	ssyncadd.remote.s32 $0x1  }
0xcc: {  	_ =	sfence.sel $0xFFFF  }
0xcd: {  	[dreg:$0x0] =	wrdreg $0xFFFFFFFF;
	(pc) =	sbr.abs _section_cstart, $3  }
0xce: {  	[dreg:$0x1] =	wrdreg $0xFFFFFFFF  }
0xcf: {  	_ =	task.clear_ibuf [dreg:s22], $0x2FFFF;
	_ =	strace $0x9FFFFFFF  }
0xd0: {  	(tm) =	ssettm $0x7FFFFFFF  }
0xd1: {  	_ =	shalt  }
tec
execute0_lowered:
.L_overlay_start_1:
0x0: {  	(tag) =	ssettag $0x1  }
0x1: {  	s1 =	srdreg.scid;
	s0 =	stileid.u32  }
0x2: {  	s26 =	sand.u32 $0x1, s1;
	s31 =	sshll.u32 s0, $0x1  }
0x3: {  	s13 =	sor.u32 s26, s31  }
0x4: {  	s10 =	rddreg [dreg:$0x0];
	s3 =	smul.u32 $0x78, s13  }
0x5: {  	s2 =	simm.s32 $0x0;
	s1 =	rddreg [dreg:$0x1]  }
0x6: {  	[smem:$0x7FF] =	sst s2;
	s3 =	sadd.s32 s3, s10  }
0x7: {  	_ =	strace $0x8000004A;
	s4 =	sadd.s32 $0x79800, s3;
	s3 =	simm.s32 $0x3  }
0x8: {  	[tilespmem:s2], [sflag:$0x3] =	stream.linear.gather [hbm4b:s4+s2], $0x3C0, $0x38;
	[tilespmem:$0x3FC0] =	vst v63  }
0x9: {  	_ =	swait.ge [sflag:s3], $0x3C0  }
0xa: {  	s6 =	simm.s32 $0x78;
	[sflag:s3] =	ssyncset.done $0x0  }
0xb: {  	s7 =	simm.s32 $0x3C0;
	s5 =	sadd.s32 $0x188200, s10;
	[sflag:s3] =	ssyncadd.s32 $0xFFFFFC40  }
0xc: {  	[tilespmem:s7], [sflag:$0x1] =	stream.indirect.gather [hbm4b:s5+s6], $0x40, s2, s6, $0xb8;
	[tilespmem:$0x3FC0] =	vst v63  }
0xd: {  	s8 =	simm.s32 $0x21C0;
	s9 =	simm.s32 $0x1  }
0xe: {  	[tilespmem:s8], [sflag:$0x2] =	stream.indirect.gather [hbm4b:s5+s6], $0x40, s6, s6, $0xb8;
	[tilespmem:$0x3FC0] =	vst v63  }
0xf: {  	s11 =	smul.u32 $0x3C00, s13;
	_ =	swait.ge [sflag:s9], $0x1E00  }
0x10: {  	s12 =	simm.s32 $0x80;
	s15 =	sadd.s32 $0x7A800, s10;
	[sflag:s9] =	ssyncset.done $0x0  }
0x11: {  	s10 =	sadd.s32 s15, s11;
	s11 =	simm.s32 $0x40;
	[sflag:s9] =	ssyncadd.s32 $0xFFFFE200  }
0x12: {  	[hbm4b:s10+s11] =	stream.strided.scatter [tilespmem:s7], [sflag:$0x3], $0x1E00, s12, s11, $0x38;
	[tilespmem:$0x3FC0] =	vst v63  }
0x13: {  	_ =	swait.ge [sflag:s3], $0x1E00  }
0x14: {  	s14 =	simm.s32 $0x2;
	[sflag:s3] =	ssyncset.done $0x0  }
0x15: {  	s16 =	smul.u32 $0x1E000, s13;
	s13 =	simm.s32 $0xF0;
	[sflag:s3] =	ssyncadd.s32 $0xFFFFE200  }
0x16: {  	[tilespmem:s7], [sflag:$0x1] =	stream.indirect.gather [hbm4b:s5+s6], $0x40, s13, s6, $0xb8;
	[tilespmem:$0x3FC0] =	vst v63  }
0x17: {  	s16 =	sshrl.u32 s16, $0x3;
	_ =	swait.ge [sflag:s14], $0x1E00  }
0x18: {  	s28 =	sadd.s32 s15, s16;
	[sflag:s14] =	ssyncset.done $0x0  }
0x19: {  	s15 =	sadd.s32 $0x780, s28;
	[sflag:s14] =	ssyncadd.s32 $0xFFFFE200  }
0x1a: {  	[hbm4b:s15+s11] =	stream.strided.scatter [tilespmem:s8], [sflag:$0x3], $0x1E00, s12, s11, $0x38;
	[tilespmem:$0x3FC0] =	vst v63  }
0x1b: {  	_ =	swait.ge [sflag:s3], $0x1E00  }
0x1c: {  	[sflag:s3] =	ssyncset.done $0x0  }
0x1d: {  	s16 =	simm.s32 $0x168;
	[sflag:s3] =	ssyncadd.s32 $0xFFFFE200  }
0x1e: {  	[tilespmem:s8], [sflag:$0x2] =	stream.indirect.gather [hbm4b:s5+s6], $0x40, s16, s6, $0xb8;
	[tilespmem:$0x3FC0] =	vst v63  }
0x1f: {  	_ =	swait.ge [sflag:s9], $0x1E00  }
0x20: {  	[sflag:s9] =	ssyncset.done $0x0  }
0x21: {  	s17 =	sadd.s32 $0xF00, s28;
	[sflag:s9] =	ssyncadd.s32 $0xFFFFE200  }
0x22: {  	[hbm4b:s17+s11] =	stream.strided.scatter [tilespmem:s7], [sflag:$0x3], $0x1E00, s12, s11, $0x38;
	[tilespmem:$0x3FC0] =	vst v63  }
0x23: {  	_ =	swait.ge [sflag:s3], $0x1E00  }
0x24: {  	[sflag:s3] =	ssyncset.done $0x0  }
0x25: {  	s18 =	simm.s32 $0x1E0;
	[sflag:s3] =	ssyncadd.s32 $0xFFFFE200  }
0x26: {  	[tilespmem:s7], [sflag:$0x1] =	stream.indirect.gather [hbm4b:s5+s6], $0x40, s18, s6, $0xb8;
	[tilespmem:$0x3FC0] =	vst v63  }
0x27: {  	_ =	swait.ge [sflag:s14], $0x1E00  }
0x28: {  	[sflag:s14] =	ssyncset.done $0x0  }
0x29: {  	s19 =	sadd.s32 $0x1680, s28;
	[sflag:s14] =	ssyncadd.s32 $0xFFFFE200  }
0x2a: {  	[hbm4b:s19+s11] =	stream.strided.scatter [tilespmem:s8], [sflag:$0x3], $0x1E00, s12, s11, $0x38;
	[tilespmem:$0x3FC0] =	vst v63  }
0x2b: {  	_ =	swait.ge [sflag:s3], $0x1E00  }
0x2c: {  	[sflag:s3] =	ssyncset.done $0x0  }
0x2d: {  	s20 =	simm.s32 $0x258;
	[sflag:s3] =	ssyncadd.s32 $0xFFFFE200  }
0x2e: {  	[tilespmem:s8], [sflag:$0x2] =	stream.indirect.gather [hbm4b:s5+s6], $0x40, s20, s6, $0xb8;
	[tilespmem:$0x3FC0] =	vst v63  }
0x2f: {  	_ =	swait.ge [sflag:s9], $0x1E00  }
0x30: {  	[sflag:s9] =	ssyncset.done $0x0  }
0x31: {  	s21 =	sadd.s32 $0x1E00, s28;
	[sflag:s9] =	ssyncadd.s32 $0xFFFFE200  }
0x32: {  	[hbm4b:s21+s11] =	stream.strided.scatter [tilespmem:s7], [sflag:$0x3], $0x1E00, s12, s11, $0x38;
	[tilespmem:$0x3FC0] =	vst v63  }
0x33: {  	_ =	swait.ge [sflag:s3], $0x1E00  }
0x34: {  	[sflag:s3] =	ssyncset.done $0x0  }
0x35: {  	s22 =	simm.s32 $0x2D0;
	[sflag:s3] =	ssyncadd.s32 $0xFFFFE200  }
0x36: {  	[tilespmem:s7], [sflag:$0x1] =	stream.indirect.gather [hbm4b:s5+s6], $0x40, s22, s6, $0xb8;
	[tilespmem:$0x3FC0] =	vst v63  }
0x37: {  	_ =	swait.ge [sflag:s14], $0x1E00  }
0x38: {  	[sflag:s14] =	ssyncset.done $0x0  }
0x39: {  	s23 =	sadd.s32 $0x2580, s28;
	[sflag:s14] =	ssyncadd.s32 $0xFFFFE200  }
0x3a: {  	[hbm4b:s23+s11] =	stream.strided.scatter [tilespmem:s8], [sflag:$0x3], $0x1E00, s12, s11, $0x38;
	[tilespmem:$0x3FC0] =	vst v63  }
0x3b: {  	_ =	swait.ge [sflag:s3], $0x1E00  }
0x3c: {  	[sflag:s3] =	ssyncset.done $0x0  }
0x3d: {  	s24 =	simm.s32 $0x348;
	[sflag:s3] =	ssyncadd.s32 $0xFFFFE200  }
0x3e: {  	[tilespmem:s8], [sflag:$0x2] =	stream.indirect.gather [hbm4b:s5+s6], $0x40, s24, s6, $0xb8;
	[tilespmem:$0x3FC0] =	vst v63  }
0x3f: {  	_ =	swait.ge [sflag:s9], $0x1E00  }
0x40: {  	[sflag:s9] =	ssyncset.done $0x0  }
0x41: {  	s26 =	ssub.s32 $0x2, s26;
	s25 =	sadd.s32 $0x2D00, s28;
	[sflag:s9] =	ssyncadd.s32 $0xFFFFE200  }
0x42: {  	[hbm4b:s25+s11] =	stream.strided.scatter [tilespmem:s7], [sflag:$0x3], $0x1E00, s12, s11, $0x38;
	[tilespmem:$0x3FC0] =	vst v63  }
0x43: {  	s29 =	sshrl.u32 s26, $0x1;
	_ =	swait.ge [sflag:s3], $0x1E00  }
0x44: {  	s29 =	ssub.s32 s26, s29;
	[sflag:s3] =	ssyncset.done $0x0  }
0x45: {  	s26 =	sadd.s32 $0x3480, s28;
	s28 =	smax.u32 s29, $0x1;
	[sflag:s3] =	ssyncadd.s32 $0xFFFFE200  }
0x46: {  	p0 =	sne.s32 s28, $0x1;
	_ =	swait.ge [sflag:s14], $0x1E00  }
.Ltmp0:
0x47: {  	[sflag:s14] =	ssyncset.done $0x0;
	(pc) =	sbr.rel @!p0 .LBB2_2-.Ltmp0, $4  }
0x48: {  	[sflag:s14] =	ssyncadd.s32 $0xFFFFE200  }
0x49: {  	[hbm4b:s26+s11] =	stream.strided.scatter [tilespmem:s8], [sflag:$0x3], $0x1E00, s12, s11, $0x38;
	[tilespmem:$0x3FC0] =	vst v63  }
0x4a: {  	_ =	swait.ge [sflag:s3], $0x1E00  }
0x4b: {  	s28 =	sadd.s32 $0xFFFFFFFF, s28;
	[sflag:s3] =	ssyncset.done $0x0  }
.LBB2_1:
0x4c: {  	p0 =	sne.s32 s28, $0x1;
	s28 =	sadd.s32 $0xFFFFFFFF, s28;
	[sflag:s3] =	ssyncadd.s32 $0xFFFFE200  }
0x4d: {  	[tilespmem:s2], [sflag:$0x3] =	stream.linear.gather [hbm4b:s4+s2], $0x3C0, $0x38;
	[tilespmem:$0x3FC0] =	vst v63  }
0x4e: {  	_ =	swait.ge [sflag:s3], $0x3C0  }
0x4f: {  	[sflag:s3] =	ssyncset.done $0x0  }
0x50: {  	[sflag:s3] =	ssyncadd.s32 $0xFFFFFC40  }
0x51: {  	[tilespmem:s7], [sflag:$0x1] =	stream.indirect.gather [hbm4b:s5+s6], $0x40, s2, s6, $0xb8;
	[tilespmem:$0x3FC0] =	vst v63  }
0x52: {  	_ = 	snop  }
0x53: {  	[tilespmem:s8], [sflag:$0x2] =	stream.indirect.gather [hbm4b:s5+s6], $0x40, s6, s6, $0xb8;
	[tilespmem:$0x3FC0] =	vst v63  }
0x54: {  	_ =	swait.ge [sflag:s9], $0x1E00  }
0x55: {  	[sflag:s9] =	ssyncset.done $0x0  }
0x56: {  	[sflag:s9] =	ssyncadd.s32 $0xFFFFE200  }
0x57: {  	[hbm4b:s10+s11] =	stream.strided.scatter [tilespmem:s7], [sflag:$0x3], $0x1E00, s12, s11, $0x38;
	[tilespmem:$0x3FC0] =	vst v63  }
0x58: {  	_ =	swait.ge [sflag:s3], $0x1E00  }
0x59: {  	[sflag:s3] =	ssyncset.done $0x0  }
0x5a: {  	[sflag:s3] =	ssyncadd.s32 $0xFFFFE200  }
0x5b: {  	[tilespmem:s7], [sflag:$0x1] =	stream.indirect.gather [hbm4b:s5+s6], $0x40, s13, s6, $0xb8;
	[tilespmem:$0x3FC0] =	vst v63  }
0x5c: {  	_ =	swait.ge [sflag:s14], $0x1E00  }
0x5d: {  	[sflag:s14] =	ssyncset.done $0x0  }
0x5e: {  	[sflag:s14] =	ssyncadd.s32 $0xFFFFE200  }
0x5f: {  	[hbm4b:s15+s11] =	stream.strided.scatter [tilespmem:s8], [sflag:$0x3], $0x1E00, s12, s11, $0x38;
	[tilespmem:$0x3FC0] =	vst v63  }
0x60: {  	_ =	swait.ge [sflag:s3], $0x1E00  }
0x61: {  	[sflag:s3] =	ssyncset.done $0x0  }
0x62: {  	[sflag:s3] =	ssyncadd.s32 $0xFFFFE200  }
0x63: {  	[tilespmem:s8], [sflag:$0x2] =	stream.indirect.gather [hbm4b:s5+s6], $0x40, s16, s6, $0xb8;
	[tilespmem:$0x3FC0] =	vst v63  }
0x64: {  	_ =	swait.ge [sflag:s9], $0x1E00  }
0x65: {  	[sflag:s9] =	ssyncset.done $0x0  }
0x66: {  	[sflag:s9] =	ssyncadd.s32 $0xFFFFE200  }
0x67: {  	[hbm4b:s17+s11] =	stream.strided.scatter [tilespmem:s7], [sflag:$0x3], $0x1E00, s12, s11, $0x38;
	[tilespmem:$0x3FC0] =	vst v63  }
0x68: {  	_ =	swait.ge [sflag:s3], $0x1E00  }
0x69: {  	[sflag:s3] =	ssyncset.done $0x0  }
0x6a: {  	[sflag:s3] =	ssyncadd.s32 $0xFFFFE200  }
0x6b: {  	[tilespmem:s7], [sflag:$0x1] =	stream.indirect.gather [hbm4b:s5+s6], $0x40, s18, s6, $0xb8;
	[tilespmem:$0x3FC0] =	vst v63  }
0x6c: {  	_ =	swait.ge [sflag:s14], $0x1E00  }
0x6d: {  	[sflag:s14] =	ssyncset.done $0x0  }
0x6e: {  	[sflag:s14] =	ssyncadd.s32 $0xFFFFE200  }
0x6f: {  	[hbm4b:s19+s11] =	stream.strided.scatter [tilespmem:s8], [sflag:$0x3], $0x1E00, s12, s11, $0x38;
	[tilespmem:$0x3FC0] =	vst v63  }
0x70: {  	_ =	swait.ge [sflag:s3], $0x1E00  }
0x71: {  	[sflag:s3] =	ssyncset.done $0x0  }
0x72: {  	[sflag:s3] =	ssyncadd.s32 $0xFFFFE200  }
0x73: {  	[tilespmem:s8], [sflag:$0x2] =	stream.indirect.gather [hbm4b:s5+s6], $0x40, s20, s6, $0xb8;
	[tilespmem:$0x3FC0] =	vst v63  }
0x74: {  	_ =	swait.ge [sflag:s9], $0x1E00  }
0x75: {  	[sflag:s9] =	ssyncset.done $0x0  }
0x76: {  	[sflag:s9] =	ssyncadd.s32 $0xFFFFE200  }
0x77: {  	[hbm4b:s21+s11] =	stream.strided.scatter [tilespmem:s7], [sflag:$0x3], $0x1E00, s12, s11, $0x38;
	[tilespmem:$0x3FC0] =	vst v63  }
0x78: {  	_ =	swait.ge [sflag:s3], $0x1E00  }
0x79: {  	[sflag:s3] =	ssyncset.done $0x0  }
0x7a: {  	[sflag:s3] =	ssyncadd.s32 $0xFFFFE200  }
0x7b: {  	[tilespmem:s7], [sflag:$0x1] =	stream.indirect.gather [hbm4b:s5+s6], $0x40, s22, s6, $0xb8;
	[tilespmem:$0x3FC0] =	vst v63  }
0x7c: {  	_ =	swait.ge [sflag:s14], $0x1E00  }
0x7d: {  	[sflag:s14] =	ssyncset.done $0x0  }
0x7e: {  	[sflag:s14] =	ssyncadd.s32 $0xFFFFE200  }
0x7f: {  	[hbm4b:s23+s11] =	stream.strided.scatter [tilespmem:s8], [sflag:$0x3], $0x1E00, s12, s11, $0x38;
	[tilespmem:$0x3FC0] =	vst v63  }
0x80: {  	_ =	swait.ge [sflag:s3], $0x1E00  }
0x81: {  	[sflag:s3] =	ssyncset.done $0x0  }
0x82: {  	[sflag:s3] =	ssyncadd.s32 $0xFFFFE200  }
0x83: {  	[tilespmem:s8], [sflag:$0x2] =	stream.indirect.gather [hbm4b:s5+s6], $0x40, s24, s6, $0xb8;
	[tilespmem:$0x3FC0] =	vst v63  }
0x84: {  	_ =	swait.ge [sflag:s9], $0x1E00  }
0x85: {  	[sflag:s9] =	ssyncset.done $0x0  }
0x86: {  	[sflag:s9] =	ssyncadd.s32 $0xFFFFE200  }
0x87: {  	[hbm4b:s25+s11] =	stream.strided.scatter [tilespmem:s7], [sflag:$0x3], $0x1E00, s12, s11, $0x38;
	[tilespmem:$0x3FC0] =	vst v63  }
0x88: {  	_ =	swait.ge [sflag:s3], $0x1E00  }
0x89: {  	[sflag:s3] =	ssyncset.done $0x0  }
0x8a: {  	[sflag:s3] =	ssyncadd.s32 $0xFFFFE200  }
0x8b: {  	_ =	swait.ge [sflag:s14], $0x1E00  }
.Ltmp1:
0x8c: {  	[sflag:s14] =	ssyncset.done $0x0;
	(pc) =	sbr.rel @p0 .LBB2_1-.Ltmp1, $4  }
0x8d: {  	[sflag:s14] =	ssyncadd.s32 $0xFFFFE200  }
0x8e: {  	[hbm4b:s26+s11] =	stream.strided.scatter [tilespmem:s8], [sflag:$0x3], $0x1E00, s12, s11, $0x38;
	[tilespmem:$0x3FC0] =	vst v63  }
0x8f: {  	_ =	swait.ge [sflag:s3], $0x1E00  }
0x90: {  	[sflag:s3] =	ssyncset.done $0x0  }
.LBB2_2:
0x91: {  	[sflag:s3] =	ssyncadd.s32 $0xFFFFE200  }
0x92: {  	_ =	sfence.sel $0x180000  }
0x93: {  	[bflag:$0x0] =	sbarrier.arrive $0xFFFF  }
0x94: {  	p0 =	sne.s32 s0, $0x0;
	_ =	strace $0x9000004A  }
0x95: {  	s0 =	sadd.s32 @!p0 $0x100000, s1;
	[bflag:$0x2] =	sbarrier.arrive $0xFFFF  }
0x96: {  	[sflag:s0] =	ssyncadd.tile.s32 @!p0 $0x1;
	_ =	shalt  }
.Lfunc_end2:
_tile_overlayer_lowered:
.L_overlay_start_2:
0x97: {  	(tag) =	ssettag $0x2  }
0x98: {  	s0 =	rddreg [dreg:$0x0];
	s2 =	stileid.u32  }
0x99: {  	s1 =	rddreg [dreg:$0x1];
	p0 =	sne.s32 s2, $0x0  }
0x9a: {  	s3 =	rddreg [dreg:$0x2];
	[bflag:$0x3] =	sbarrier.arrive $0xFFFF;
	s2 =	simm.s32 @!p0 $0x1C03  }
0x9b: {  	[timem:s3], [sflag:s2] =	dma.local @!p0 [hbm:s0], s1  }
0x9c: {  	s0 =	simm.s32 @!p0 $0x3  }
0x9d: {  	_ =	swait.ge @!p0 [sflag:s0], s1  }
0x9e: {  	s1 =	ssub.s32 @!p0 $0x0, s1;
	[sflag:s0] =	ssyncset.done @!p0 $0x0  }
0x9f: {  	[sflag:s0] =	ssyncadd.s32 @!p0 s1  }
0xa0: {  	[bflag:$0x3] =	sbarrier.arrive $0xFFFF  }
0xa1: {  	_ =	shalt  }

// kernel: kernel.9.cloned.1.call-start
scs
__scs_entry_jumppad:
0x0: {  	(pc) =	sbr.rel $0x88, $3  }
0x1: {  	(tag) =	ssettag $0x0;
	lr =	simm.s32 $0x1  }
0x2: {  	[smem:$0x3F9D] =	sst lr;
	_ =	strace $0xD0000000  }
0x3: {  	_ = 	snop  }
0x4: {  	_ = 	snop  }
0x5: {  	_ = 	snop  }
0x6: {  	_ = 	snop  }
0x7: {  	_ = 	snop  }
__scs_overlays_trampoline_lowered:
0x8: {  	[smem:$0x3FAC] =	sst s0  }
0x9: {  	[smem:$0x3FAD] =	sst s1  }
0xa: {  	[smem:$0x3FAE] =	sst s2  }
0xb: {  	[smem:$0x3FAF] =	sst s3  }
0xc: {  	[smem:$0x3FB0] =	sst s4  }
0xd: {  	[smem:$0x3FB1] =	sst s5  }
0xe: {  	[smem:$0x3FB2] =	sst s6  }
0xf: {  	[smem:$0x3FB3] =	sst s7  }
0x10: {  	[smem:$0x3FB4] =	sst s8  }
0x11: {  	[smem:$0x3FB5] =	sst s9;
	s0 =	simm.s32 @!p0 $0x0  }
0x12: {  	s1 =	sld [smem:$0x3F9B];
	s0 =	simm.s32 @p0 $0x1  }
0x13: {  	[smem:$0x3FB6] =	sst s0;
	s0 =	simm.s32 @!p1 $0x0  }
0x14: {  	s2 =	sld [smem:$0x3F9A];
	s0 =	simm.s32 @p1 $0x1  }
0x15: {  	[smem:$0x3FB7] =	sst s0;
	s0 =	simm.s32 @!p2 $0x0  }
0x16: {  	s3 =	sld [smem:$0x3FDB];
	s0 =	simm.s32 @p2 $0x1  }
0x17: {  	s4 =	simm.s32 $0x1BF5;
	[smem:$0x3FB9] =	sst s0  }
0x18: {  	s0 =	sld [smem:$0x3F9C];
	_ =	swait.ge [sflag:s4], $0x0  }
0x19: {  	s7 =	sld [smem:$0x3F9D]  }
0x1a: {  	s8 =	sadd.s32 $0xFFFFE003, lr  }
0x1b: {  	s9 =	sadd.s32 $0xFFFFFEF7, lr;
	s5 =	simm.s32 $0xFFFFFFFF;
	p2 =	slt.u32 s8, $0xFFFFF086  }
0x1c: {  	p1 =	slt.u32 s9, $0xF7A;
	s5 =	simm.s32 @!p2 $0x0  }
0x1d: {  	s5 =	simm.s32 @p1 $0x1;
	p0 =	seq.s32 s7, s2  }
0x1e: {  	s7 =	smul.u32 @!p0 $0xF7A, s2;
	p2 =	seq.s32 @!p0 s5, $0x0  }
0x1f: {  	s9 =	smul.u32 $0xF7A, s1;
	s8 =	simm.s32 @!p0 $0x1BF5;
	p2 =	por !p2, p0  }
0x20: {  	[sflag:s8] =	ssyncset.s32 @!p0 $0xFFFFF086;
	s6 =	sadd.s32 @!p0 s3, s7;
	s7 =	simm.s32 @!p0 $0x108  }
0x21: {  	s3 =	sadd.s32 s3, s9;
	s6 =	sadd.s32 @!p0 $0x88, s6;
	s7 =	simm.s32 @p2 $0x1082  }
0x22: {  	[simem:s7], [sflag:s8] =	dma.local @!p0 [hbm:s6], $0xF7A  }
0x23: {  	s9 =	sor.u32 $0xD0000000, s2;
	s6 =	simm.s32 $0x108;
	_ =	swait.ge @!p0 [sflag:s8], $0x0  }
0x24: {  	s3 =	sadd.s32 $0x88, s3;
	s6 =	simm.s32 @!p1 $0x1082;
	[sflag:s4] =	ssyncset.s32 $0xFFFFF086  }
0x25: {  	[simem:s6], [sflag:s4] =	dma.local [hbm:s3], $0xF7A  }
0x26: {  	[smem:$0x3F9D] =	sst s1;
	(tag) =	ssettag s2;
	_ =	strace s9  }
0x27: {  	s1 =	sld [smem:$0x3FAD]  }
0x28: {  	s2 =	sld [smem:$0x3FAE]  }
0x29: {  	s4 =	sld [smem:$0x3FB0]  }
0x2a: {  	p0 =	seq.s32 s5, $0x0;
	s5 =	sld [smem:$0x3FB1]  }
0x2b: {  	s6 =	sld [smem:$0x3FB2]  }
0x2c: {  	s7 =	sld [smem:$0x3FB3]  }
0x2d: {  	s3 =	simm.s32 $0x108;
	s8 =	sld [smem:$0x3FB4]  }
0x2e: {  	s3 =	simm.s32 @!p0 $0x1082;
	s9 =	sld [smem:$0x3FB5]  }
0x2f: {  	lr =	sadd.s32 s0, s3;
	s0 =	sld [smem:$0x3FAC]  }
0x30: {  	s3 =	sld [smem:$0x3FAF]  }
0x31: {  	[smem:$0x3FB8] =	sst s10  }
0x32: {  	s10 =	sld [smem:$0x3FB6];
	_ =	sdelay $0x3  }
0x33: {  	p0 =	seq.s32 s10, $0x1;
	s10 =	sld [smem:$0x3FB8];
	_ =	sdelay $0x3  }
0x34: {  	[smem:$0x3FB8] =	sst s10  }
0x35: {  	s10 =	sld [smem:$0x3FB7];
	_ =	sdelay $0x3  }
0x36: {  	p1 =	seq.s32 s10, $0x1;
	s10 =	sld [smem:$0x3FB8];
	_ =	sdelay $0x3  }
0x37: {  	[smem:$0x3FB8] =	sst s10  }
0x38: {  	s10 =	sld [smem:$0x3FB9]  }
0x39: {  	_ = 	snop;
	(pc) =	sbr.ind lr, $3  }
0x3a: {  	_ = 	snop  }
0x3b: {  	_ = 	snop  }
0x3c: {  	p2 =	seq.s32 s10, $0x1;
	s10 =	sld [smem:$0x3FB8]  }
0x3d: {  	_ =	shalt  }
0x3e: {  	_ =	shalt  }
0x3f: {  	_ =	shalt  }
0x40: {  	_ =	shalt  }
0x41: {  	_ =	shalt  }
0x42: {  	_ =	shalt  }
0x43: {  	_ =	shalt  }
0x44: {  	_ =	shalt  }
0x45: {  	_ =	shalt  }
0x46: {  	_ =	shalt  }
0x47: {  	_ =	shalt  }
0x48: {  	_ =	shalt  }
0x49: {  	_ =	shalt  }
0x4a: {  	_ =	shalt  }
0x4b: {  	_ =	shalt  }
0x4c: {  	_ =	shalt  }
0x4d: {  	_ =	shalt  }
0x4e: {  	_ =	shalt  }
0x4f: {  	_ =	shalt  }
0x50: {  	_ =	shalt  }
0x51: {  	_ =	shalt  }
0x52: {  	_ =	shalt  }
0x53: {  	_ =	shalt  }
0x54: {  	_ =	shalt  }
0x55: {  	_ =	shalt  }
0x56: {  	_ =	shalt  }
0x57: {  	_ =	shalt  }
0x58: {  	_ =	shalt  }
0x59: {  	_ =	shalt  }
0x5a: {  	_ =	shalt  }
0x5b: {  	_ =	shalt  }
0x5c: {  	_ =	shalt  }
0x5d: {  	_ =	shalt  }
0x5e: {  	_ =	shalt  }
0x5f: {  	_ =	shalt  }
0x60: {  	_ =	shalt  }
0x61: {  	_ =	shalt  }
0x62: {  	_ =	shalt  }
0x63: {  	_ =	shalt  }
0x64: {  	_ =	shalt  }
0x65: {  	_ =	shalt  }
0x66: {  	_ =	shalt  }
0x67: {  	_ =	shalt  }
0x68: {  	_ =	shalt  }
0x69: {  	_ =	shalt  }
0x6a: {  	_ =	shalt  }
0x6b: {  	_ =	shalt  }
0x6c: {  	_ =	shalt  }
0x6d: {  	_ =	shalt  }
0x6e: {  	_ =	shalt  }
0x6f: {  	_ =	shalt  }
0x70: {  	_ =	shalt  }
0x71: {  	_ =	shalt  }
0x72: {  	_ =	shalt  }
0x73: {  	_ =	shalt  }
0x74: {  	_ =	shalt  }
0x75: {  	_ =	shalt  }
0x76: {  	_ =	shalt  }
0x77: {  	_ =	shalt  }
0x78: {  	_ =	shalt  }
0x79: {  	_ =	shalt  }
0x7a: {  	_ =	shalt  }
0x7b: {  	_ =	shalt  }
0x7c: {  	_ =	shalt  }
0x7d: {  	_ =	shalt  }
0x7e: {  	_ =	shalt  }
0x7f: {  	_ =	shalt  }
0x80: {  	_ =	shalt  }
0x81: {  	_ =	shalt  }
0x82: {  	_ =	shalt  }
0x83: {  	_ =	shalt  }
0x84: {  	_ =	shalt  }
0x85: {  	_ =	shalt  }
0x86: {  	_ =	shalt  }
0x87: {  	_ =	shalt  }
.Lfunc_end0:
.L_simem_size_0:
called_computation.1_lowered:
.L_overlay_start_0:
0x88: {  	s2 =	sld [smem:$0x3FD9]  }
0x89: {  	s3 =	sld [smem:$0x3FFE];
	_ =	sdelay $0x1  }
0x8a: {  	s1 =	srdreg.scid  }
0x8b: {  	s0 =	sand.u32 $0x1, s1  }
0x8c: {  	s17 =	sshll.u32 s0, $0xA;
	s2 =	sadd.s32 s3, s2  }
0x8d: {  	s2 =	sadd.s32 s2, s17  }
0x8e: {  	[smem:$0x3FC4] =	sst s2  }
0x8f: {  	_ = 	snop  }
0x90: {  	s2 =	sld [smem:$0x3FD0];
	(tm) =	ssettm $0x1  }
0x91: {  	s18 =	sld [smem:$0x3FFB];
	_ =	sdelay $0x3  }
0x92: {  	_ =	strace s18  }
0x93: {  	s3 =	sld [smem:$0x3FFC];
	_ =	sdelay $0x3  }
0x94: {  	_ =	strace s3  }
0x95: {  	s3 =	sld [smem:$0x3FFD];
	_ =	sdelay $0x3  }
0x96: {  	_ =	strace s3  }
0x97: {  	_ =	strace $0x8FFFFFFF  }
0x98: {  	s19 =	sld [smem:$0x3FDB];
	_ =	sdelay $0x1  }
0x99: {  	s4 =	simm.s32 $_scs_section_size  }
0x9a: {  	s5 =	simm.s32 $_size__tile_overlayer_lowered;
	s6 =	simm.s32 $_tile_overlayer_lowered  }
0x9b: {  	s22 =	simm.s32 $0x1BFF;
	s21 =	sshll.u32 s6, $0x1;
	s3 =	sadd.s32 s4, s19  }
0x9c: {  	s7 =	simm.s32 $0x0;
	s20 =	sshll.u32 s5, $0x1;
	s5 =	sadd.s32 s21, s3  }
0x9d: {  	[timem:s7], [sflag:s22] =	dma.local [hbm:s5], s20  }
0x9e: {  	_ =	swait.ge [sflag:s22], s20  }
0x9f: {  	s4 =	ssub.s32 $0x0, s20;
	[sflag:s22] =	ssyncset.done $0x0  }
0xa0: {  	[sflag:s22] =	ssyncadd.s32 s4;
	_ =	sdelay $0x1  }
0xa1: {  	s23 =	simm.s32 $0x1B8B  }
0xa2: {  	_ =	swait.ge [sflag:s23], $0x1  }
0xa3: {  	[sflag:s23] =	ssyncset.done $0x0  }
0xa4: {  	s25 =	simm.s32 $0x1B8E;
	s24 =	sld [smem:$0x3FFE];
	[sflag:s23] =	ssyncadd.s32 $0xFFFFFFFF  }
0xa5: {  	s26 =	simm.s32 $execute0_lowered;
	[smem:$0x3FD2] =	sst s25  }
0xa6: {  	s5 =	sshll.u32 s26, $0x1;
	_ =	strace $0x80000046;
	[dreg:$0x1] =	wrdreg $0xFFFFFFFF  }
0xa7: {  	s28 =	simm.s32 $_size_execute0_lowered;
	s3 =	sadd.s32 s3, s5;
	[dreg:$0x0] =	wrdreg $0x0  }
0xa8: {  	s5 =	sshll.u32 s28, $0x1;
	[dreg:$0x2] =	wrdreg s3  }
0xa9: {  	[dreg:$0x3] =	wrdreg s5  }
0xaa: {  	[dreg:$0x4] =	wrdreg $0xC0  }
0xab: {  	_ =	task [dreg:s7], $0x5FFFF  }
0xac: {  	[dreg:$0x1] =	wrdreg $0xFFFFFFFF  }
0xad: {  	[dreg:$0x0] =	wrdreg $0x60  }
0xae: {  	[dreg:$0x2] =	wrdreg s2  }
0xaf: {  	[dreg:$0x3] =	wrdreg s24  }
0xb0: {  	[dreg:$0x4] =	wrdreg $0xA  }
0xb1: {  	_ =	task.clear_ibuf [dreg:s7], $0x5FFFF;
	_ =	strace $0x90000046  }
0xb2: {  	s29 =	simm.s32 $0xA;
	_ =	strace $0x80000048  }
0xb3: {  	_ =	swait.ge [sflag:s29], $0x1  }
0xb4: {  	[sflag:s29] =	ssyncadd.s32 $0xFFFFFFFF  }
0xb5: {  	_ =	strace $0x90000048  }
0xb6: {  	_ =	sfence  }
0xb7: {  	s30 =	sld [smem:$0x0];
	_ =	sdelay $0x2  }
0xb8: {  	s31 =	sshll.u32 s1, $0xD;
	s1 =	sshrl.u32 s1, $0x2  }
0xb9: {  	s3 =	sand.u32 $0x4000, s31;
	s1 =	sadd.s32 s1, s30  }
0xba: {  	s0 =	sor.u32 s3, s0;
	s1 =	sshll.u32 s1, $0x11  }
0xbb: {  	s0 =	sor.u32 s1, s0  }
0xbc: {  	s0 =	sadd.s32 $0x8F2B, s0  }
0xbd: {  	[sflag:s0] =	ssyncadd.remote.s32 $0x1  }
0xbe: {  	_ =	sfence.sel $0xFFFF  }
0xbf: {  	[dreg:$0x0] =	wrdreg $0xFFFFFFFF;
	(pc) =	sbr.abs _section_cstart, $3  }
0xc0: {  	[dreg:$0x1] =	wrdreg $0xFFFFFFFF  }
0xc1: {  	_ =	task.clear_ibuf [dreg:s7], $0x2FFFF;
	_ =	strace $0x9FFFFFFF  }
0xc2: {  	(tm) =	ssettm $0x7FFFFFFF  }
0xc3: {  	_ =	shalt  }
tec
execute0_lowered:
.L_overlay_start_1:
0x0: {  	(tag) =	ssettag $0x1  }
0x1: {  	s1 =	srdreg.scid;
	s0 =	stileid.u32  }
0x2: {  	s3 =	rddreg [dreg:$0x0];
	s26 =	sand.u32 $0x1, s1;
	s31 =	sshll.u32 s0, $0x1  }
0x3: {  	s10 =	rddreg [dreg:$0x1];
	s13 =	sor.u32 s26, s31  }
0x4: {  	s2 =	simm.s32 $0x0;
	s1 =	rddreg [dreg:$0x2];
	s4 =	smul.u32 $0x78, s13  }
0x5: {  	[smem:$0x7FF] =	sst s2  }
0x6: {  	_ =	strace $0x80000047;
	s4 =	sadd.s32 s3, s4;
	s3 =	simm.s32 $0x3  }
0x7: {  	[tilespmem:s2], [sflag:$0x3] =	stream.linear.gather [hbm4b:s4+s2], $0x3C0, $0x38;
	[tilespmem:$0x3FC0] =	vst v63  }
0x8: {  	_ =	swait.ge [sflag:s3], $0x3C0  }
0x9: {  	s6 =	simm.s32 $0x78;
	[sflag:s3] =	ssyncset.done $0x0  }
0xa: {  	s7 =	simm.s32 $0x3C0;
	s5 =	sadd.s32 $0x188200, s10;
	[sflag:s3] =	ssyncadd.s32 $0xFFFFFC40  }
0xb: {  	[tilespmem:s7], [sflag:$0x1] =	stream.indirect.gather [hbm4b:s5+s6], $0x40, s2, s6, $0xb8;
	[tilespmem:$0x3FC0] =	vst v63  }
0xc: {  	s8 =	simm.s32 $0x21C0;
	s9 =	simm.s32 $0x1  }
0xd: {  	[tilespmem:s8], [sflag:$0x2] =	stream.indirect.gather [hbm4b:s5+s6], $0x40, s6, s6, $0xb8;
	[tilespmem:$0x3FC0] =	vst v63  }
0xe: {  	s11 =	smul.u32 $0x3C00, s13;
	_ =	swait.ge [sflag:s9], $0x1E00  }
0xf: {  	s12 =	simm.s32 $0x80;
	s15 =	sadd.s32 $0x1800, s10;
	[sflag:s9] =	ssyncset.done $0x0  }
0x10: {  	s10 =	sadd.s32 s15, s11;
	s11 =	simm.s32 $0x40;
	[sflag:s9] =	ssyncadd.s32 $0xFFFFE200  }
0x11: {  	[hbm4b:s10+s11] =	stream.strided.scatter [tilespmem:s7], [sflag:$0x3], $0x1E00, s12, s11, $0x38;
	[tilespmem:$0x3FC0] =	vst v63  }
0x12: {  	_ =	swait.ge [sflag:s3], $0x1E00  }
0x13: {  	s14 =	simm.s32 $0x2;
	[sflag:s3] =	ssyncset.done $0x0  }
0x14: {  	s16 =	smul.u32 $0x1E000, s13;
	s13 =	simm.s32 $0xF0;
	[sflag:s3] =	ssyncadd.s32 $0xFFFFE200  }
0x15: {  	[tilespmem:s7], [sflag:$0x1] =	stream.indirect.gather [hbm4b:s5+s6], $0x40, s13, s6, $0xb8;
	[tilespmem:$0x3FC0] =	vst v63  }
0x16: {  	s16 =	sshrl.u32 s16, $0x3;
	_ =	swait.ge [sflag:s14], $0x1E00  }
0x17: {  	s28 =	sadd.s32 s15, s16;
	[sflag:s14] =	ssyncset.done $0x0  }
0x18: {  	s15 =	sadd.s32 $0x780, s28;
	[sflag:s14] =	ssyncadd.s32 $0xFFFFE200  }
0x19: {  	[hbm4b:s15+s11] =	stream.strided.scatter [tilespmem:s8], [sflag:$0x3], $0x1E00, s12, s11, $0x38;
	[tilespmem:$0x3FC0] =	vst v63  }
0x1a: {  	_ =	swait.ge [sflag:s3], $0x1E00  }
0x1b: {  	[sflag:s3] =	ssyncset.done $0x0  }
0x1c: {  	s16 =	simm.s32 $0x168;
	[sflag:s3] =	ssyncadd.s32 $0xFFFFE200  }
0x1d: {  	[tilespmem:s8], [sflag:$0x2] =	stream.indirect.gather [hbm4b:s5+s6], $0x40, s16, s6, $0xb8;
	[tilespmem:$0x3FC0] =	vst v63  }
0x1e: {  	_ =	swait.ge [sflag:s9], $0x1E00  }
0x1f: {  	[sflag:s9] =	ssyncset.done $0x0  }
0x20: {  	s17 =	sadd.s32 $0xF00, s28;
	[sflag:s9] =	ssyncadd.s32 $0xFFFFE200  }
0x21: {  	[hbm4b:s17+s11] =	stream.strided.scatter [tilespmem:s7], [sflag:$0x3], $0x1E00, s12, s11, $0x38;
	[tilespmem:$0x3FC0] =	vst v63  }
0x22: {  	_ =	swait.ge [sflag:s3], $0x1E00  }
0x23: {  	[sflag:s3] =	ssyncset.done $0x0  }
0x24: {  	s18 =	simm.s32 $0x1E0;
	[sflag:s3] =	ssyncadd.s32 $0xFFFFE200  }
0x25: {  	[tilespmem:s7], [sflag:$0x1] =	stream.indirect.gather [hbm4b:s5+s6], $0x40, s18, s6, $0xb8;
	[tilespmem:$0x3FC0] =	vst v63  }
0x26: {  	_ =	swait.ge [sflag:s14], $0x1E00  }
0x27: {  	[sflag:s14] =	ssyncset.done $0x0  }
0x28: {  	s19 =	sadd.s32 $0x1680, s28;
	[sflag:s14] =	ssyncadd.s32 $0xFFFFE200  }
0x29: {  	[hbm4b:s19+s11] =	stream.strided.scatter [tilespmem:s8], [sflag:$0x3], $0x1E00, s12, s11, $0x38;
	[tilespmem:$0x3FC0] =	vst v63  }
0x2a: {  	_ =	swait.ge [sflag:s3], $0x1E00  }
0x2b: {  	[sflag:s3] =	ssyncset.done $0x0  }
0x2c: {  	s20 =	simm.s32 $0x258;
	[sflag:s3] =	ssyncadd.s32 $0xFFFFE200  }
0x2d: {  	[tilespmem:s8], [sflag:$0x2] =	stream.indirect.gather [hbm4b:s5+s6], $0x40, s20, s6, $0xb8;
	[tilespmem:$0x3FC0] =	vst v63  }
0x2e: {  	_ =	swait.ge [sflag:s9], $0x1E00  }
0x2f: {  	[sflag:s9] =	ssyncset.done $0x0  }
0x30: {  	s21 =	sadd.s32 $0x1E00, s28;
	[sflag:s9] =	ssyncadd.s32 $0xFFFFE200  }
0x31: {  	[hbm4b:s21+s11] =	stream.strided.scatter [tilespmem:s7], [sflag:$0x3], $0x1E00, s12, s11, $0x38;
	[tilespmem:$0x3FC0] =	vst v63  }
0x32: {  	_ =	swait.ge [sflag:s3], $0x1E00  }
0x33: {  	[sflag:s3] =	ssyncset.done $0x0  }
0x34: {  	s22 =	simm.s32 $0x2D0;
	[sflag:s3] =	ssyncadd.s32 $0xFFFFE200  }
0x35: {  	[tilespmem:s7], [sflag:$0x1] =	stream.indirect.gather [hbm4b:s5+s6], $0x40, s22, s6, $0xb8;
	[tilespmem:$0x3FC0] =	vst v63  }
0x36: {  	_ =	swait.ge [sflag:s14], $0x1E00  }
0x37: {  	[sflag:s14] =	ssyncset.done $0x0  }
0x38: {  	s23 =	sadd.s32 $0x2580, s28;
	[sflag:s14] =	ssyncadd.s32 $0xFFFFE200  }
0x39: {  	[hbm4b:s23+s11] =	stream.strided.scatter [tilespmem:s8], [sflag:$0x3], $0x1E00, s12, s11, $0x38;
	[tilespmem:$0x3FC0] =	vst v63  }
0x3a: {  	_ =	swait.ge [sflag:s3], $0x1E00  }
0x3b: {  	[sflag:s3] =	ssyncset.done $0x0  }
0x3c: {  	s24 =	simm.s32 $0x348;
	[sflag:s3] =	ssyncadd.s32 $0xFFFFE200  }
0x3d: {  	[tilespmem:s8], [sflag:$0x2] =	stream.indirect.gather [hbm4b:s5+s6], $0x40, s24, s6, $0xb8;
	[tilespmem:$0x3FC0] =	vst v63  }
0x3e: {  	_ =	swait.ge [sflag:s9], $0x1E00  }
0x3f: {  	[sflag:s9] =	ssyncset.done $0x0  }
0x40: {  	s26 =	ssub.s32 $0x2, s26;
	s25 =	sadd.s32 $0x2D00, s28;
	[sflag:s9] =	ssyncadd.s32 $0xFFFFE200  }
0x41: {  	[hbm4b:s25+s11] =	stream.strided.scatter [tilespmem:s7], [sflag:$0x3], $0x1E00, s12, s11, $0x38;
	[tilespmem:$0x3FC0] =	vst v63  }
0x42: {  	s29 =	sshrl.u32 s26, $0x1;
	_ =	swait.ge [sflag:s3], $0x1E00  }
0x43: {  	s29 =	ssub.s32 s26, s29;
	[sflag:s3] =	ssyncset.done $0x0  }
0x44: {  	s26 =	sadd.s32 $0x3480, s28;
	s28 =	smax.u32 s29, $0x1;
	[sflag:s3] =	ssyncadd.s32 $0xFFFFE200  }
0x45: {  	p0 =	sne.s32 s28, $0x1;
	_ =	swait.ge [sflag:s14], $0x1E00  }
.Ltmp0:
0x46: {  	[sflag:s14] =	ssyncset.done $0x0;
	(pc) =	sbr.rel @!p0 .LBB2_2-.Ltmp0, $4  }
0x47: {  	[sflag:s14] =	ssyncadd.s32 $0xFFFFE200  }
0x48: {  	[hbm4b:s26+s11] =	stream.strided.scatter [tilespmem:s8], [sflag:$0x3], $0x1E00, s12, s11, $0x38;
	[tilespmem:$0x3FC0] =	vst v63  }
0x49: {  	_ =	swait.ge [sflag:s3], $0x1E00  }
0x4a: {  	s28 =	sadd.s32 $0xFFFFFFFF, s28;
	[sflag:s3] =	ssyncset.done $0x0  }
.LBB2_1:
0x4b: {  	p0 =	sne.s32 s28, $0x1;
	s28 =	sadd.s32 $0xFFFFFFFF, s28;
	[sflag:s3] =	ssyncadd.s32 $0xFFFFE200  }
0x4c: {  	[tilespmem:s2], [sflag:$0x3] =	stream.linear.gather [hbm4b:s4+s2], $0x3C0, $0x38;
	[tilespmem:$0x3FC0] =	vst v63  }
0x4d: {  	_ =	swait.ge [sflag:s3], $0x3C0  }
0x4e: {  	[sflag:s3] =	ssyncset.done $0x0  }
0x4f: {  	[sflag:s3] =	ssyncadd.s32 $0xFFFFFC40  }
0x50: {  	[tilespmem:s7], [sflag:$0x1] =	stream.indirect.gather [hbm4b:s5+s6], $0x40, s2, s6, $0xb8;
	[tilespmem:$0x3FC0] =	vst v63  }
0x51: {  	_ = 	snop  }
0x52: {  	[tilespmem:s8], [sflag:$0x2] =	stream.indirect.gather [hbm4b:s5+s6], $0x40, s6, s6, $0xb8;
	[tilespmem:$0x3FC0] =	vst v63  }
0x53: {  	_ =	swait.ge [sflag:s9], $0x1E00  }
0x54: {  	[sflag:s9] =	ssyncset.done $0x0  }
0x55: {  	[sflag:s9] =	ssyncadd.s32 $0xFFFFE200  }
0x56: {  	[hbm4b:s10+s11] =	stream.strided.scatter [tilespmem:s7], [sflag:$0x3], $0x1E00, s12, s11, $0x38;
	[tilespmem:$0x3FC0] =	vst v63  }
0x57: {  	_ =	swait.ge [sflag:s3], $0x1E00  }
0x58: {  	[sflag:s3] =	ssyncset.done $0x0  }
0x59: {  	[sflag:s3] =	ssyncadd.s32 $0xFFFFE200  }
0x5a: {  	[tilespmem:s7], [sflag:$0x1] =	stream.indirect.gather [hbm4b:s5+s6], $0x40, s13, s6, $0xb8;
	[tilespmem:$0x3FC0] =	vst v63  }
0x5b: {  	_ =	swait.ge [sflag:s14], $0x1E00  }
0x5c: {  	[sflag:s14] =	ssyncset.done $0x0  }
0x5d: {  	[sflag:s14] =	ssyncadd.s32 $0xFFFFE200  }
0x5e: {  	[hbm4b:s15+s11] =	stream.strided.scatter [tilespmem:s8], [sflag:$0x3], $0x1E00, s12, s11, $0x38;
	[tilespmem:$0x3FC0] =	vst v63  }
0x5f: {  	_ =	swait.ge [sflag:s3], $0x1E00  }
0x60: {  	[sflag:s3] =	ssyncset.done $0x0  }
0x61: {  	[sflag:s3] =	ssyncadd.s32 $0xFFFFE200  }
0x62: {  	[tilespmem:s8], [sflag:$0x2] =	stream.indirect.gather [hbm4b:s5+s6], $0x40, s16, s6, $0xb8;
	[tilespmem:$0x3FC0] =	vst v63  }
0x63: {  	_ =	swait.ge [sflag:s9], $0x1E00  }
0x64: {  	[sflag:s9] =	ssyncset.done $0x0  }
0x65: {  	[sflag:s9] =	ssyncadd.s32 $0xFFFFE200  }
0x66: {  	[hbm4b:s17+s11] =	stream.strided.scatter [tilespmem:s7], [sflag:$0x3], $0x1E00, s12, s11, $0x38;
	[tilespmem:$0x3FC0] =	vst v63  }
0x67: {  	_ =	swait.ge [sflag:s3], $0x1E00  }
0x68: {  	[sflag:s3] =	ssyncset.done $0x0  }
0x69: {  	[sflag:s3] =	ssyncadd.s32 $0xFFFFE200  }
0x6a: {  	[tilespmem:s7], [sflag:$0x1] =	stream.indirect.gather [hbm4b:s5+s6], $0x40, s18, s6, $0xb8;
	[tilespmem:$0x3FC0] =	vst v63  }
0x6b: {  	_ =	swait.ge [sflag:s14], $0x1E00  }
0x6c: {  	[sflag:s14] =	ssyncset.done $0x0  }
0x6d: {  	[sflag:s14] =	ssyncadd.s32 $0xFFFFE200  }
0x6e: {  	[hbm4b:s19+s11] =	stream.strided.scatter [tilespmem:s8], [sflag:$0x3], $0x1E00, s12, s11, $0x38;
	[tilespmem:$0x3FC0] =	vst v63  }
0x6f: {  	_ =	swait.ge [sflag:s3], $0x1E00  }
0x70: {  	[sflag:s3] =	ssyncset.done $0x0  }
0x71: {  	[sflag:s3] =	ssyncadd.s32 $0xFFFFE200  }
0x72: {  	[tilespmem:s8], [sflag:$0x2] =	stream.indirect.gather [hbm4b:s5+s6], $0x40, s20, s6, $0xb8;
	[tilespmem:$0x3FC0] =	vst v63  }
0x73: {  	_ =	swait.ge [sflag:s9], $0x1E00  }
0x74: {  	[sflag:s9] =	ssyncset.done $0x0  }
0x75: {  	[sflag:s9] =	ssyncadd.s32 $0xFFFFE200  }
0x76: {  	[hbm4b:s21+s11] =	stream.strided.scatter [tilespmem:s7], [sflag:$0x3], $0x1E00, s12, s11, $0x38;
	[tilespmem:$0x3FC0] =	vst v63  }
0x77: {  	_ =	swait.ge [sflag:s3], $0x1E00  }
0x78: {  	[sflag:s3] =	ssyncset.done $0x0  }
0x79: {  	[sflag:s3] =	ssyncadd.s32 $0xFFFFE200  }
0x7a: {  	[tilespmem:s7], [sflag:$0x1] =	stream.indirect.gather [hbm4b:s5+s6], $0x40, s22, s6, $0xb8;
	[tilespmem:$0x3FC0] =	vst v63  }
0x7b: {  	_ =	swait.ge [sflag:s14], $0x1E00  }
0x7c: {  	[sflag:s14] =	ssyncset.done $0x0  }
0x7d: {  	[sflag:s14] =	ssyncadd.s32 $0xFFFFE200  }
0x7e: {  	[hbm4b:s23+s11] =	stream.strided.scatter [tilespmem:s8], [sflag:$0x3], $0x1E00, s12, s11, $0x38;
	[tilespmem:$0x3FC0] =	vst v63  }
0x7f: {  	_ =	swait.ge [sflag:s3], $0x1E00  }
0x80: {  	[sflag:s3] =	ssyncset.done $0x0  }
0x81: {  	[sflag:s3] =	ssyncadd.s32 $0xFFFFE200  }
0x82: {  	[tilespmem:s8], [sflag:$0x2] =	stream.indirect.gather [hbm4b:s5+s6], $0x40, s24, s6, $0xb8;
	[tilespmem:$0x3FC0] =	vst v63  }
0x83: {  	_ =	swait.ge [sflag:s9], $0x1E00  }
0x84: {  	[sflag:s9] =	ssyncset.done $0x0  }
0x85: {  	[sflag:s9] =	ssyncadd.s32 $0xFFFFE200  }
0x86: {  	[hbm4b:s25+s11] =	stream.strided.scatter [tilespmem:s7], [sflag:$0x3], $0x1E00, s12, s11, $0x38;
	[tilespmem:$0x3FC0] =	vst v63  }
0x87: {  	_ =	swait.ge [sflag:s3], $0x1E00  }
0x88: {  	[sflag:s3] =	ssyncset.done $0x0  }
0x89: {  	[sflag:s3] =	ssyncadd.s32 $0xFFFFE200  }
0x8a: {  	_ =	swait.ge [sflag:s14], $0x1E00  }
.Ltmp1:
0x8b: {  	[sflag:s14] =	ssyncset.done $0x0;
	(pc) =	sbr.rel @p0 .LBB2_1-.Ltmp1, $4  }
0x8c: {  	[sflag:s14] =	ssyncadd.s32 $0xFFFFE200  }
0x8d: {  	[hbm4b:s26+s11] =	stream.strided.scatter [tilespmem:s8], [sflag:$0x3], $0x1E00, s12, s11, $0x38;
	[tilespmem:$0x3FC0] =	vst v63  }
0x8e: {  	_ =	swait.ge [sflag:s3], $0x1E00  }
0x8f: {  	[sflag:s3] =	ssyncset.done $0x0  }
.LBB2_2:
0x90: {  	[sflag:s3] =	ssyncadd.s32 $0xFFFFE200  }
0x91: {  	_ =	sfence.sel $0x180000  }
0x92: {  	[bflag:$0x0] =	sbarrier.arrive $0xFFFF  }
0x93: {  	p0 =	sne.s32 s0, $0x0;
	_ =	strace $0x90000047  }
0x94: {  	s0 =	sadd.s32 @!p0 $0x100000, s1;
	[bflag:$0x2] =	sbarrier.arrive $0xFFFF  }
0x95: {  	[sflag:s0] =	ssyncadd.tile.s32 @!p0 $0x1;
	_ =	shalt  }
.Lfunc_end2:
_tile_overlayer_lowered:
.L_overlay_start_2:
0x96: {  	(tag) =	ssettag $0x2  }
0x97: {  	s0 =	rddreg [dreg:$0x0];
	s2 =	stileid.u32  }
0x98: {  	s1 =	rddreg [dreg:$0x1];
	p0 =	sne.s32 s2, $0x0  }
0x99: {  	s3 =	rddreg [dreg:$0x2];
	[bflag:$0x3] =	sbarrier.arrive $0xFFFF;
	s2 =	simm.s32 @!p0 $0x1C03  }
0x9a: {  	[timem:s3], [sflag:s2] =	dma.local @!p0 [hbm:s0], s1  }
0x9b: {  	s0 =	simm.s32 @!p0 $0x3  }
0x9c: {  	_ =	swait.ge @!p0 [sflag:s0], s1  }
0x9d: {  	s1 =	ssub.s32 @!p0 $0x0, s1;
	[sflag:s0] =	ssyncset.done @!p0 $0x0  }
0x9e: {  	[sflag:s0] =	ssyncadd.s32 @!p0 s1  }
0x9f: {  	[bflag:$0x3] =	sbarrier.arrive $0xFFFF  }
0xa0: {  	_ =	shalt  }

</sc_bundles>
